<compile_context>
chip_gen: v7x
topology: tpu7x:2x2x1
jax: 0.10.2.dev20260603
libtpu: 0.0.44.dev20260713+nightly
codegen_flags: <defaults>
</compile_context>

<pallas_src>
import functools

import jax
import jax.numpy as jnp
from jax import lax
from jax.experimental import pallas as pl
from jax.experimental.pallas import tpu as pltpu
from jax.experimental.pallas import tpu_sc as plsc

N = 10000
IN_CH = 128
EDGE_ATTRS = 16
OUT_CH = 128
GLOBAL_F = 32
B = 16

NC = 2
NS = 16
NW = NC * NS
CHUNK = 256

NP = 10112
NPT = NP // NS
CHUNKB = 128


def _sc_mesh():
    return plsc.VectorSubcoreMesh(core_axis_name="c", subcore_axis_name="s")


def _zero_vmem_rows(ref, nrows, width):
    z16 = jnp.zeros((16,), jnp.float32)

    def zrow(i, _):
        def zcol(j, _):
            ref[i, pl.ds(j * 16, 16)] = z16
            return 0
        return lax.fori_loop(0, width // 16, zcol, 0)
    lax.fori_loop(0, nrows, zrow, 0)


def _sc_gx_body(chunks_per_tile, col_hbm, row_hbm, x_hbm, zrows_hbm,
                gx_out, colv, rowv, rows_v, acc_gx, gsem):
    cid = lax.axis_index("c")
    sid = lax.axis_index("s")
    wid = cid * NS + sid

    r0 = sid * NPT
    pltpu.sync_copy(zrows_hbm, acc_gx.at[pl.ds(r0, NPT)])
    plsc.subcore_barrier()

    ebase = wid * (chunks_per_tile * CHUNK)

    def loop(k, _):
        off = ebase + k * CHUNK
        pltpu.sync_copy(col_hbm.at[pl.ds(off, CHUNK)], colv)
        pltpu.sync_copy(row_hbm.at[pl.ds(off, CHUNK)], rowv)
        pltpu.async_copy(x_hbm.at[colv], rows_v, gsem).wait()
        pltpu.sync_copy(rows_v, acc_gx.at[rowv], add=True)
        return 0
    lax.fori_loop(0, chunks_per_tile, loop, 0)
    plsc.subcore_barrier()

    done = 0
    while done < NPT:
        nrows = min(CHUNK, NPT - done)
        pltpu.sync_copy(acc_gx.at[pl.ds(r0 + done, nrows)],
                        gx_out.at[cid, pl.ds(r0 + done, nrows)])
        done += nrows


def _make_sc_gx_call(chunks_per_tile):
    return pl.kernel(
        functools.partial(_sc_gx_body, chunks_per_tile),
        out_type=jax.ShapeDtypeStruct((NC, NP, IN_CH), jnp.float32),
        mesh=_sc_mesh(),
        scratch_types=[
            pltpu.VMEM((CHUNK,), jnp.int32),
            pltpu.VMEM((CHUNK,), jnp.int32),
            pltpu.VMEM((CHUNK, IN_CH), jnp.float32),
            pltpu.VMEM_SHARED((NP, IN_CH), jnp.float32),
            pltpu.SemaphoreType.DMA,
        ],
    )


def _sc_ge_body(chunks_per_tile, row_hbm, attr_hbm, zrows_hbm, tmpl_hbm,
                ge_out, rowv_a, rowv_b, attr_v, big_a, big_b, acc_ge, sem):
    cid = lax.axis_index("c")
    sid = lax.axis_index("s")
    wid = cid * NS + sid
    rowvs = (rowv_a, rowv_b)
    bigs = (big_a, big_b)

    r0 = sid * NPT
    pltpu.sync_copy(zrows_hbm, acc_ge.at[pl.ds(r0, NPT)])
    pltpu.sync_copy(tmpl_hbm, big_a)
    pltpu.sync_copy(tmpl_hbm, big_b)
    plsc.subcore_barrier()

    ebase = wid * (chunks_per_tile * CHUNKB)

    def prep(g, p):
        off = ebase + g * CHUNKB
        pltpu.sync_copy(row_hbm.at[pl.ds(off, CHUNKB)], rowvs[p])
        pltpu.sync_copy(attr_hbm.at[pl.ds(off, CHUNKB)], attr_v)

        def crow(i, _):
            bigs[p][i, pl.ds(0, EDGE_ATTRS)] = attr_v[i, pl.ds(0, EDGE_ATTRS)]
            return 0
        lax.fori_loop(0, CHUNKB, crow, 0)

    prep(0, 0)

    def loop(i, _):
        for p in (0, 1):
            g = i * 2 + p
            nxt = lax.select(g + 1 < chunks_per_tile, g + 1, 0)
            prep(nxt, 1 - p)
            pltpu.sync_copy(bigs[p], acc_ge.at[rowvs[p]], add=True)
        return 0
    lax.fori_loop(0, chunks_per_tile // 2, loop, 0)
    plsc.subcore_barrier()

    done = 0
    while done < NPT:
        nrows = min(CHUNKB, NPT - done)
        pltpu.sync_copy(acc_ge.at[pl.ds(r0 + done, nrows)],
                        ge_out.at[cid, pl.ds(r0 + done, nrows)])
        done += nrows


def _make_sc_ge_call(chunks_per_tile):
    return pl.kernel(
        functools.partial(_sc_ge_body, chunks_per_tile),
        out_type=jax.ShapeDtypeStruct((NC, NP, IN_CH), jnp.float32),
        mesh=_sc_mesh(),
        scratch_types=[
            pltpu.VMEM((CHUNKB,), jnp.int32),
            pltpu.VMEM((CHUNKB,), jnp.int32),
            pltpu.VMEM((CHUNKB, EDGE_ATTRS), jnp.float32),
            pltpu.VMEM((CHUNKB, IN_CH), jnp.float32),
            pltpu.VMEM((CHUNKB, IN_CH), jnp.float32),
            pltpu.VMEM_SHARED((NP, IN_CH), jnp.float32),
            pltpu.SemaphoreType.DMA,
        ],
    )


ROWS_BLK = 1000
GRID = N // ROWS_BLK


def _tc_body(gxp, gep, batchr, w1a, w1b, b1r, w2a, w2b, b2r,
             ur, wga, wgb, bgr, xn_out, g_out, acc_sx, acc_cb):
    i = pl.program_id(0)

    @pl.when(i == 0)
    def _():
        acc_sx[...] = jnp.zeros_like(acc_sx)
        acc_cb[...] = jnp.zeros_like(acc_cb)

    gx = gxp[0] + gxp[1]
    gec = gep[0] + gep[1]
    ge = gec[:, :EDGE_ATTRS]
    cnt = gec[:, EDGE_ATTRS:EDGE_ATTRS + 1]
    cntc = jnp.maximum(cnt, 1.0)

    sumh = (jnp.dot(gx, w1a[...], preferred_element_type=jnp.float32)
            + jnp.dot(ge, w1b[...], preferred_element_type=jnp.float32)
            + cnt * b1r[...])
    agg = sumh / cntc

    bvec = batchr[...][:, 0]
    onehot = (bvec[:, None] == lax.broadcasted_iota(jnp.int32, (1, B), 1)
              ).astype(jnp.float32)
    ub = jnp.dot(onehot, ur[...], preferred_element_type=jnp.float32)
    xn = (jnp.dot(agg, w2a[...], preferred_element_type=jnp.float32)
          + jnp.dot(ub, w2b[...], preferred_element_type=jnp.float32)
          + b2r[...])
    xn_out[...] = xn

    acc_sx[...] += lax.dot_general(onehot, xn, (((0,), (0,)), ((), ())),
                                   preferred_element_type=jnp.float32)
    acc_cb[...] += jnp.broadcast_to(
        jnp.sum(onehot, axis=0)[:, None], (B, OUT_CH))

    @pl.when(i == GRID - 1)
    def _():
        mean_xn = acc_sx[...] / jnp.maximum(acc_cb[...], 1.0)
        g_out[...] = (jnp.dot(ur[...], wga[...],
                              preferred_element_type=jnp.float32)
                      + jnp.dot(mean_xn, wgb[...],
                                preferred_element_type=jnp.float32)
                      + bgr[...])


def _tc_call(gx_p, ge_p, batch2d, w1a, w1b, b1r, w2a, w2b, b2r,
             u, wga, wgb, bgr):
    full = lambda shape: pl.BlockSpec(shape, lambda i: (0,) * len(shape))
    return pl.pallas_call(
        _tc_body,
        grid=(GRID,),
        in_specs=[
            pl.BlockSpec((NC, ROWS_BLK, IN_CH), lambda i: (0, i, 0)),
            pl.BlockSpec((NC, ROWS_BLK, IN_CH), lambda i: (0, i, 0)),
            pl.BlockSpec((ROWS_BLK, 1), lambda i: (i, 0)),
            full((IN_CH, OUT_CH)),
            full((EDGE_ATTRS, OUT_CH)),
            full((1, OUT_CH)),
            full((OUT_CH, OUT_CH)),
            full((GLOBAL_F, OUT_CH)),
            full((1, OUT_CH)),
            full((B, GLOBAL_F)),
            full((GLOBAL_F, GLOBAL_F)),
            full((OUT_CH, GLOBAL_F)),
            full((1, GLOBAL_F)),
        ],
        out_specs=[
            pl.BlockSpec((ROWS_BLK, OUT_CH), lambda i: (i, 0)),
            pl.BlockSpec((B, GLOBAL_F), lambda i: (0, 0)),
        ],
        out_shape=[
            jax.ShapeDtypeStruct((N, OUT_CH), jnp.float32),
            jax.ShapeDtypeStruct((B, GLOBAL_F), jnp.float32),
        ],
        scratch_shapes=[
            pltpu.VMEM((B, OUT_CH), jnp.float32),
            pltpu.VMEM((B, OUT_CH), jnp.float32),
        ],
    )(gx_p, ge_p, batch2d, w1a, w1b, b1r, w2a, w2b, b2r,
      u, wga, wgb, bgr)


@jax.jit
def kernel(x, edge_index, edge_attr, u, batch, W1, b1, W2, b2, Wg, bg):
    E = edge_attr.shape[0]
    row = edge_index[0].astype(jnp.int32)
    col = edge_index[1].astype(jnp.int32)

    per_tile = -(-E // (NW * CHUNK)) * CHUNK
    e_pad = per_tile * NW
    pad = e_pad - E
    colp = jnp.concatenate([col, jnp.zeros((pad,), jnp.int32)])
    rowp = jnp.concatenate(
        [row, N + (jnp.arange(pad, dtype=jnp.int32) % 16)])
    attrp = jnp.concatenate(
        [edge_attr, jnp.zeros((pad, EDGE_ATTRS), jnp.float32)])

    zrows = jnp.zeros((NPT, IN_CH), jnp.float32)
    tmpl = jnp.zeros((CHUNKB, IN_CH), jnp.float32
                     ).at[:, EDGE_ATTRS:2 * EDGE_ATTRS].set(1.0)
    gx_p = _make_sc_gx_call(per_tile // CHUNK)(colp, rowp, x, zrows)
    ge_p = _make_sc_ge_call(per_tile // CHUNKB)(rowp, attrp, zrows, tmpl)

    batch2d = batch.astype(jnp.int32)[:, None]
    xn, g = _tc_call(
        gx_p, ge_p, batch2d,
        W1[:IN_CH], W1[IN_CH:], b1[None, :],
        W2[:OUT_CH], W2[OUT_CH:], b2[None, :],
        u, Wg[:GLOBAL_F], Wg[GLOBAL_F:], bg[None, :])
    return (xn, edge_attr, g)

# --- scband reference (transcript-rebuilt; emitter-appended) ---
"""Pipeline reference for scband-my-layer-38998303047924 (READ-ONLY COPY).

The authoritative reference and input builder live on the scoring server;
editing this copy changes nothing except your own understanding.
"""

import jax, jax.numpy as jnp
import numpy as np

N = 10000
E = 320000
B = 16
IN_CH = 128
EDGE_ATTRS = 16
OUT_CH = 128
GLOBAL_F = 32


def _scatter_mean(data, idx, dim_size):
    s = jax.ops.segment_sum(data, idx, num_segments=dim_size)
    cnt = jax.ops.segment_sum(jnp.ones((data.shape[0],), data.dtype), idx, num_segments=dim_size)
    return s / jnp.clip(cnt, 1.0)[:, None]


def setup_inputs(seed: int = 0) -> dict:
    key = jax.random.key(seed)
    ks = jax.random.split(key, 12)
    x = jax.random.normal(ks[0], (N, IN_CH), dtype=jnp.float32)
    edge_index = jax.random.randint(ks[1], (2, E), 0, N, dtype=jnp.int64)
    edge_attr = jax.random.normal(ks[2], (E, EDGE_ATTRS), dtype=jnp.float32)
    u = jax.random.normal(ks[3], (B, GLOBAL_F), dtype=jnp.float32)
    batch = jnp.sort(jax.random.randint(ks[4], (N,), 0, B, dtype=jnp.int64))
    d1 = IN_CH + EDGE_ATTRS
    d2 = OUT_CH + GLOBAL_F
    dg = GLOBAL_F + OUT_CH
    W1 = jax.random.normal(ks[5], (d1, OUT_CH), dtype=jnp.float32) / np.sqrt(d1)
    b1 = jnp.zeros((OUT_CH,), dtype=jnp.float32)
    W2 = jax.random.normal(ks[6], (d2, OUT_CH), dtype=jnp.float32) / np.sqrt(d2)
    b2 = jnp.zeros((OUT_CH,), dtype=jnp.float32)
    Wg = jax.random.normal(ks[7], (dg, GLOBAL_F), dtype=jnp.float32) / np.sqrt(dg)
    bg = jnp.zeros((GLOBAL_F,), dtype=jnp.float32)
    return {"x": x, "edge_index": edge_index, "edge_attr": edge_attr, "u": u, "batch": batch,
            "W1": W1, "b1": b1, "W2": W2, "b2": b2, "Wg": Wg, "bg": bg}


def reference(x, edge_index, edge_attr, u, batch, W1, b1, W2, b2, Wg, bg):
    row = edge_index[0]
    col = edge_index[1]
    # edge_model: identity on edge_attr
    e = edge_attr
    # node_model
    h = jnp.concatenate([jnp.take(x, col, axis=0), e], axis=1)
    h = h @ W1 + b1
    agg = _scatter_mean(h, row, N)
    xn = jnp.concatenate([agg, jnp.take(u, batch, axis=0)], axis=1)
    xn = xn @ W2 + b2
    # global_model
    g_in = jnp.concatenate([u, _scatter_mean(xn, batch, B)], axis=1)
    g = g_in @ Wg + bg
    return (xn, e, g)

if __name__ == "__main__":
    import jax
    _d = setup_inputs()
    print(jax.jit(kernel)(*tuple(_d.values())))

</pallas_src>

<mosaic_0001>
#map = affine_map<(d0, d1) -> (0)>
#map1 = affine_map<(d0, d1) -> (0, 0)>
#map2 = affine_map<(d0, d1) -> (0, 0, 0)>
module attributes {stable_mosaic.version = 14 : i64} {
  func.func @_sc_gx_body(%arg0: i32, %arg1: i32, %arg2: memref<327680xi32, #tpu.memory_space<hbm>>, %arg3: memref<327680xi32, #tpu.memory_space<hbm>>, %arg4: memref<10000x128xf32, #tpu.memory_space<hbm>>, %arg5: memref<632x128xf32, #tpu.memory_space<hbm>>, %arg6: memref<2x10112x128xf32, #tpu.memory_space<hbm>>, %arg7: memref<256xi32, #tpu.memory_space<vmem>>, %arg8: memref<256xi32, #tpu.memory_space<vmem>>, %arg9: memref<256x128xf32, #tpu.memory_space<vmem>>, %arg10: memref<10112x128xf32, #tpu.memory_space<vmem_shared>>, %arg11: memref<!tpu.dma_semaphore, #tpu.memory_space<semaphore_mem>>) attributes {dimension_semantics = [#tpu.dimension_semantics<core_parallel>, #tpu.dimension_semantics<subcore_parallel>], iteration_bounds = array<i64: 2, 16>, scalar_prefetch = 0 : i64, scratch_operands = 5 : i64, tpu.core_type = #tpu.core_type<sc_vector_subcore>, window_params = [{transform_indices = #map}, {transform_indices = #map}, {transform_indices = #map1}, {transform_indices = #map1}, {transform_indices = #map2}]} {
    %mul3A = arith.constant 16 : i32
    %mul3A_0 = arith.muli %arg0, %mul3A : i32
    %add3A = arith.addi %mul3A_0, %arg1 : i32
    %mul3A_1 = arith.constant 632 : i32
    %mul3A_2 = arith.muli %arg1, %mul3A_1 : i32
    "tpu.region"() ({
      %run_scoped3A = tpu.sem_alloc : memref<!tpu.dma_semaphore, #tpu.memory_space<semaphore_mem>>
      %dma_start3A = arith.constant 0 : i32
      %dma_start3A_24 = tpu.memref_slice %arg10[%mul3A_2, %dma_start3A] : memref<10112x128xf32, #tpu.memory_space<vmem_shared>> -> memref<632x128xf32, #tpu.memory_space<vmem_shared>>
      tpu.enqueue_dma source(%arg5 : memref<632x128xf32, #tpu.memory_space<hbm>>) target(%dma_start3A_24 : memref<632x128xf32, #tpu.memory_space<vmem_shared>>) target_semaphore(%run_scoped3A : memref<!tpu.dma_semaphore, #tpu.memory_space<semaphore_mem>>)
      %dma_wait3A = arith.constant 0 : i32
      %dma_wait3A_25 = tpu.memref_slice %arg10[%mul3A_2, %dma_wait3A] : memref<10112x128xf32, #tpu.memory_space<vmem_shared>> -> memref<632x128xf32, #tpu.memory_space<vmem_shared>>
      tpu.wait_dma2 semaphore(%run_scoped3A : memref<!tpu.dma_semaphore, #tpu.memory_space<semaphore_mem>>) src(%arg5 : memref<632x128xf32, #tpu.memory_space<hbm>>) dst(%dma_wait3A_25 : memref<632x128xf32, #tpu.memory_space<vmem_shared>>)
      tpu.yield
    }) : () -> ()
    %barrier3A = arith.constant 0 : index
    tpu.barrier barrier_id(%barrier3A)
    %mul3A_3 = arith.constant 10240 : i32
    %mul3A_4 = arith.muli %add3A, %mul3A_3 : i32
    %scan3A = arith.constant 0 : i32
    %scan3A_5 = arith.constant 0 : i32
    %scan3A_6 = arith.constant 40 : i32
    %scan3A_7 = arith.addi %scan3A_5, %scan3A_6 : i32
    %scan3A_8 = arith.constant 1 : i32
    %scan3A_9 = scf.for %scan3A_24 = %scan3A_5 to %scan3A_7 step %scan3A_8 iter_args(%scan3A_25 = %scan3A) -> (i32)  : i32 {
      %mul3A_26 = arith.constant 256 : i32
      %mul3A_27 = arith.muli %scan3A_24, %mul3A_26 : i32
      %add3A_28 = arith.addi %mul3A_4, %mul3A_27 : i32
      "tpu.region"() ({
        %run_scoped3A = tpu.sem_alloc : memref<!tpu.dma_semaphore, #tpu.memory_space<semaphore_mem>>
        %dma_start3A_34 = tpu.memref_slice %arg2[%add3A_28] : memref<327680xi32, #tpu.memory_space<hbm>> -> memref<256xi32, #tpu.memory_space<hbm>>
        %dma_start3A_35 = tpu.memref_slice %arg2[%add3A_28] : memref<327680xi32, #tpu.memory_space<hbm>> -> memref<256xi32, #tpu.memory_space<hbm>>
        tpu.enqueue_dma source(%dma_start3A_35 : memref<256xi32, #tpu.memory_space<hbm>>) target(%arg7 : memref<256xi32, #tpu.memory_space<vmem>>) target_semaphore(%run_scoped3A : memref<!tpu.dma_semaphore, #tpu.memory_space<semaphore_mem>>)
        %dma_wait3A_36 = tpu.memref_slice %arg2[%add3A_28] : memref<327680xi32, #tpu.memory_space<hbm>> -> memref<256xi32, #tpu.memory_space<hbm>>
        %dma_wait3A_37 = tpu.memref_slice %arg2[%add3A_28] : memref<327680xi32, #tpu.memory_space<hbm>> -> memref<256xi32, #tpu.memory_space<hbm>>
        tpu.wait_dma2 semaphore(%run_scoped3A : memref<!tpu.dma_semaphore, #tpu.memory_space<semaphore_mem>>) src(%dma_wait3A_37 : memref<256xi32, #tpu.memory_space<hbm>>) dst(%arg7 : memref<256xi32, #tpu.memory_space<vmem>>)
        tpu.yield
      }) : () -> ()
      "tpu.region"() ({
        %run_scoped3A = tpu.sem_alloc : memref<!tpu.dma_semaphore, #tpu.memory_space<semaphore_mem>>
        %dma_start3A_34 = tpu.memref_slice %arg3[%add3A_28] : memref<327680xi32, #tpu.memory_space<hbm>> -> memref<256xi32, #tpu.memory_space<hbm>>
        %dma_start3A_35 = tpu.memref_slice %arg3[%add3A_28] : memref<327680xi32, #tpu.memory_space<hbm>> -> memref<256xi32, #tpu.memory_space<hbm>>
        tpu.enqueue_dma source(%dma_start3A_35 : memref<256xi32, #tpu.memory_space<hbm>>) target(%arg8 : memref<256xi32, #tpu.memory_space<vmem>>) target_semaphore(%run_scoped3A : memref<!tpu.dma_semaphore, #tpu.memory_space<semaphore_mem>>)
        %dma_wait3A_36 = tpu.memref_slice %arg3[%add3A_28] : memref<327680xi32, #tpu.memory_space<hbm>> -> memref<256xi32, #tpu.memory_space<hbm>>
        %dma_wait3A_37 = tpu.memref_slice %arg3[%add3A_28] : memref<327680xi32, #tpu.memory_space<hbm>> -> memref<256xi32, #tpu.memory_space<hbm>>
        tpu.wait_dma2 semaphore(%run_scoped3A : memref<!tpu.dma_semaphore, #tpu.memory_space<semaphore_mem>>) src(%dma_wait3A_37 : memref<256xi32, #tpu.memory_space<hbm>>) dst(%arg8 : memref<256xi32, #tpu.memory_space<vmem>>)
        tpu.yield
      }) : () -> ()
      %dma_start3A = arith.constant 0 : i32
      %dma_start3A_29 = arith.constant 0 : i32
      %dma_start3A_30 = tpu.memref_slice %arg4[%dma_start3A, %dma_start3A_29] : memref<10000x128xf32, #tpu.memory_space<hbm>> -> memref<10000x128xf32, #tpu.memory_space<hbm>>
      tpu.enqueue_indirect_dma source(%dma_start3A_30 : memref<10000x128xf32, #tpu.memory_space<hbm>>) target(%arg9 : memref<256x128xf32, #tpu.memory_space<vmem>>) offsets(%arg7 : memref<256xi32, #tpu.memory_space<vmem>>) semaphore(%arg11 : memref<!tpu.dma_semaphore, #tpu.memory_space<semaphore_mem>>)
      %dma_wait3A = arith.constant 0 : i32
      %dma_wait3A_31 = arith.constant 0 : i32
      %dma_wait3A_32 = tpu.memref_slice %arg4[%dma_wait3A, %dma_wait3A_31] : memref<10000x128xf32, #tpu.memory_space<hbm>> -> memref<10000x128xf32, #tpu.memory_space<hbm>>
      tpu.wait_indirect_dma semaphore(%arg11 : memref<!tpu.dma_semaphore, #tpu.memory_space<semaphore_mem>>) src(%dma_wait3A_32 : memref<10000x128xf32, #tpu.memory_space<hbm>>) dst(%arg9 : memref<256x128xf32, #tpu.memory_space<vmem>>)
      "tpu.region"() ({
        %run_scoped3A = tpu.sem_alloc : memref<!tpu.dma_semaphore, #tpu.memory_space<semaphore_mem>>
        %dma_start3A_34 = arith.constant 0 : i32
        %dma_start3A_35 = arith.constant 0 : i32
        %dma_start3A_36 = tpu.memref_slice %arg10[%dma_start3A_34, %dma_start3A_35] : memref<10112x128xf32, #tpu.memory_space<vmem_shared>> -> memref<10112x128xf32, #tpu.memory_space<vmem_shared>>
        tpu.enqueue_indirect_dma source(%arg9 : memref<256x128xf32, #tpu.memory_space<vmem>>) target(%dma_start3A_36 : memref<10112x128xf32, #tpu.memory_space<vmem_shared>>) offsets(%arg8 : memref<256xi32, #tpu.memory_space<vmem>>) semaphore(%run_scoped3A : memref<!tpu.dma_semaphore, #tpu.memory_space<semaphore_mem>>) {add = true}
        %dma_wait3A_37 = arith.constant 0 : i32
        %dma_wait3A_38 = arith.constant 0 : i32
        %dma_wait3A_39 = tpu.memref_slice %arg10[%dma_wait3A_37, %dma_wait3A_38] : memref<10112x128xf32, #tpu.memory_space<vmem_shared>> -> memref<10112x128xf32, #tpu.memory_space<vmem_shared>>
        tpu.wait_indirect_dma semaphore(%run_scoped3A : memref<!tpu.dma_semaphore, #tpu.memory_space<semaphore_mem>>) src(%arg9 : memref<256x128xf32, #tpu.memory_space<vmem>>) dst(%dma_wait3A_39 : memref<10112x128xf32, #tpu.memory_space<vmem_shared>>)
        tpu.yield
      }) : () -> ()
      %scan3A_33 = arith.constant 0 : i32
      scf.yield %scan3A_33 : i32
    }
    %scan3A_10 = arith.constant 40 : i32
    %barrier3A_11 = arith.constant 0 : index
    tpu.barrier barrier_id(%barrier3A_11)
    %add3A_12 = arith.constant 0 : i32
    %add3A_13 = arith.addi %mul3A_2, %add3A_12 : i32
    %add3A_14 = arith.constant 0 : i32
    %add3A_15 = arith.addi %mul3A_2, %add3A_14 : i32
    "tpu.region"() ({
      %run_scoped3A = tpu.sem_alloc : memref<!tpu.dma_semaphore, #tpu.memory_space<semaphore_mem>>
      %dma_start3A = arith.constant 0 : i32
      %dma_start3A_24 = tpu.memref_slice %arg6[%arg0, %add3A_15, %dma_start3A] : memref<2x10112x128xf32, #tpu.memory_space<hbm>> -> memref<1x256x128xf32, #tpu.memory_space<hbm>>
      %dma_start3A_25 = tpu.memref_squeeze %dma_start3A_24 : memref<1x256x128xf32, #tpu.memory_space<hbm>> -> memref<256x128xf32, #tpu.memory_space<hbm>>
      %dma_start3A_26 = arith.constant 0 : i32
      %dma_start3A_27 = tpu.memref_slice %arg10[%add3A_13, %dma_start3A_26] : memref<10112x128xf32, #tpu.memory_space<vmem_shared>> -> memref<256x128xf32, #tpu.memory_space<vmem_shared>>
      tpu.enqueue_dma source(%dma_start3A_27 : memref<256x128xf32, #tpu.memory_space<vmem_shared>>) target(%dma_start3A_25 : memref<256x128xf32, #tpu.memory_space<hbm>>) target_semaphore(%run_scoped3A : memref<!tpu.dma_semaphore, #tpu.memory_space<semaphore_mem>>)
      %dma_wait3A = arith.constant 0 : i32
      %dma_wait3A_28 = tpu.memref_slice %arg6[%arg0, %add3A_15, %dma_wait3A] : memref<2x10112x128xf32, #tpu.memory_space<hbm>> -> memref<1x256x128xf32, #tpu.memory_space<hbm>>
      %dma_wait3A_29 = tpu.memref_squeeze %dma_wait3A_28 : memref<1x256x128xf32, #tpu.memory_space<hbm>> -> memref<256x128xf32, #tpu.memory_space<hbm>>
      %dma_wait3A_30 = arith.constant 0 : i32
      %dma_wait3A_31 = tpu.memref_slice %arg10[%add3A_13, %dma_wait3A_30] : memref<10112x128xf32, #tpu.memory_space<vmem_shared>> -> memref<256x128xf32, #tpu.memory_space<vmem_shared>>
      tpu.wait_dma2 semaphore(%run_scoped3A : memref<!tpu.dma_semaphore, #tpu.memory_space<semaphore_mem>>) src(%dma_wait3A_31 : memref<256x128xf32, #tpu.memory_space<vmem_shared>>) dst(%dma_wait3A_29 : memref<256x128xf32, #tpu.memory_space<hbm>>)
      tpu.yield
    }) : () -> ()
    %add3A_16 = arith.constant 256 : i32
    %add3A_17 = arith.addi %mul3A_2, %add3A_16 : i32
    %add3A_18 = arith.constant 256 : i32
    %add3A_19 = arith.addi %mul3A_2, %add3A_18 : i32
    "tpu.region"() ({
      %run_scoped3A = tpu.sem_alloc : memref<!tpu.dma_semaphore, #tpu.memory_space<semaphore_mem>>
      %dma_start3A = arith.constant 0 : i32
      %dma_start3A_24 = tpu.memref_slice %arg6[%arg0, %add3A_19, %dma_start3A] : memref<2x10112x128xf32, #tpu.memory_space<hbm>> -> memref<1x256x128xf32, #tpu.memory_space<hbm>>
      %dma_start3A_25 = tpu.memref_squeeze %dma_start3A_24 : memref<1x256x128xf32, #tpu.memory_space<hbm>> -> memref<256x128xf32, #tpu.memory_space<hbm>>
      %dma_start3A_26 = arith.constant 0 : i32
      %dma_start3A_27 = tpu.memref_slice %arg10[%add3A_17, %dma_start3A_26] : memref<10112x128xf32, #tpu.memory_space<vmem_shared>> -> memref<256x128xf32, #tpu.memory_space<vmem_shared>>
      tpu.enqueue_dma source(%dma_start3A_27 : memref<256x128xf32, #tpu.memory_space<vmem_shared>>) target(%dma_start3A_25 : memref<256x128xf32, #tpu.memory_space<hbm>>) target_semaphore(%run_scoped3A : memref<!tpu.dma_semaphore, #tpu.memory_space<semaphore_mem>>)
      %dma_wait3A = arith.constant 0 : i32
      %dma_wait3A_28 = tpu.memref_slice %arg6[%arg0, %add3A_19, %dma_wait3A] : memref<2x10112x128xf32, #tpu.memory_space<hbm>> -> memref<1x256x128xf32, #tpu.memory_space<hbm>>
      %dma_wait3A_29 = tpu.memref_squeeze %dma_wait3A_28 : memref<1x256x128xf32, #tpu.memory_space<hbm>> -> memref<256x128xf32, #tpu.memory_space<hbm>>
      %dma_wait3A_30 = arith.constant 0 : i32
      %dma_wait3A_31 = tpu.memref_slice %arg10[%add3A_17, %dma_wait3A_30] : memref<10112x128xf32, #tpu.memory_space<vmem_shared>> -> memref<256x128xf32, #tpu.memory_space<vmem_shared>>
      tpu.wait_dma2 semaphore(%run_scoped3A : memref<!tpu.dma_semaphore, #tpu.memory_space<semaphore_mem>>) src(%dma_wait3A_31 : memref<256x128xf32, #tpu.memory_space<vmem_shared>>) dst(%dma_wait3A_29 : memref<256x128xf32, #tpu.memory_space<hbm>>)
      tpu.yield
    }) : () -> ()
    %add3A_20 = arith.constant 512 : i32
    %add3A_21 = arith.addi %mul3A_2, %add3A_20 : i32
    %add3A_22 = arith.constant 512 : i32
    %add3A_23 = arith.addi %mul3A_2, %add3A_22 : i32
    "tpu.region"() ({
      %run_scoped3A = tpu.sem_alloc : memref<!tpu.dma_semaphore, #tpu.memory_space<semaphore_mem>>
      %dma_start3A = arith.constant 0 : i32
      %dma_start3A_24 = tpu.memref_slice %arg6[%arg0, %add3A_23, %dma_start3A] : memref<2x10112x128xf32, #tpu.memory_space<hbm>> -> memref<1x120x128xf32, #tpu.memory_space<hbm>>
      %dma_start3A_25 = tpu.memref_squeeze %dma_start3A_24 : memref<1x120x128xf32, #tpu.memory_space<hbm>> -> memref<120x128xf32, #tpu.memory_space<hbm>>
      %dma_start3A_26 = arith.constant 0 : i32
      %dma_start3A_27 = tpu.memref_slice %arg10[%add3A_21, %dma_start3A_26] : memref<10112x128xf32, #tpu.memory_space<vmem_shared>> -> memref<120x128xf32, #tpu.memory_space<vmem_shared>>
      tpu.enqueue_dma source(%dma_start3A_27 : memref<120x128xf32, #tpu.memory_space<vmem_shared>>) target(%dma_start3A_25 : memref<120x128xf32, #tpu.memory_space<hbm>>) target_semaphore(%run_scoped3A : memref<!tpu.dma_semaphore, #tpu.memory_space<semaphore_mem>>)
      %dma_wait3A = arith.constant 0 : i32
      %dma_wait3A_28 = tpu.memref_slice %arg6[%arg0, %add3A_23, %dma_wait3A] : memref<2x10112x128xf32, #tpu.memory_space<hbm>> -> memref<1x120x128xf32, #tpu.memory_space<hbm>>
      %dma_wait3A_29 = tpu.memref_squeeze %dma_wait3A_28 : memref<1x120x128xf32, #tpu.memory_space<hbm>> -> memref<120x128xf32, #tpu.memory_space<hbm>>
      %dma_wait3A_30 = arith.constant 0 : i32
      %dma_wait3A_31 = tpu.memref_slice %arg10[%add3A_21, %dma_wait3A_30] : memref<10112x128xf32, #tpu.memory_space<vmem_shared>> -> memref<120x128xf32, #tpu.memory_space<vmem_shared>>
      tpu.wait_dma2 semaphore(%run_scoped3A : memref<!tpu.dma_semaphore, #tpu.memory_space<semaphore_mem>>) src(%dma_wait3A_31 : memref<120x128xf32, #tpu.memory_space<vmem_shared>>) dst(%dma_wait3A_29 : memref<120x128xf32, #tpu.memory_space<hbm>>)
      tpu.yield
    }) : () -> ()
    return
  }
}

#map = affine_map<(d0, d1) -> (0)>
#map1 = affine_map<(d0, d1) -> (0, 0)>
#map2 = affine_map<(d0, d1) -> (0, 0, 0)>
module attributes {stable_mosaic.version = 14 : i64} {
  func.func @_sc_ge_body(%arg0: i32, %arg1: i32, %arg2: memref<327680xi32, #tpu.memory_space<hbm>>, %arg3: memref<327680x16xf32, #tpu.memory_space<hbm>>, %arg4: memref<632x128xf32, #tpu.memory_space<hbm>>, %arg5: memref<128x128xf32, #tpu.memory_space<hbm>>, %arg6: memref<2x10112x128xf32, #tpu.memory_space<hbm>>, %arg7: memref<128xi32, #tpu.memory_space<vmem>>, %arg8: memref<128xi32, #tpu.memory_space<vmem>>, %arg9: memref<128x16xf32, #tpu.memory_space<vmem>>, %arg10: memref<128x128xf32, #tpu.memory_space<vmem>>, %arg11: memref<128x128xf32, #tpu.memory_space<vmem>>, %arg12: memref<10112x128xf32, #tpu.memory_space<vmem_shared>>, %arg13: memref<!tpu.dma_semaphore, #tpu.memory_space<semaphore_mem>>) attributes {dimension_semantics = [#tpu.dimension_semantics<core_parallel>, #tpu.dimension_semantics<subcore_parallel>], iteration_bounds = array<i64: 2, 16>, scalar_prefetch = 0 : i64, scratch_operands = 7 : i64, tpu.core_type = #tpu.core_type<sc_vector_subcore>, window_params = [{transform_indices = #map}, {transform_indices = #map1}, {transform_indices = #map1}, {transform_indices = #map1}, {transform_indices = #map2}]} {
    %mul3A = arith.constant 16 : i32
    %mul3A_0 = arith.muli %arg0, %mul3A : i32
    %add3A = arith.addi %mul3A_0, %arg1 : i32
    %mul3A_1 = arith.constant 632 : i32
    %mul3A_2 = arith.muli %arg1, %mul3A_1 : i32
    "tpu.region"() ({
      %run_scoped3A = tpu.sem_alloc : memref<!tpu.dma_semaphore, #tpu.memory_space<semaphore_mem>>
      %dma_start3A = arith.constant 0 : i32
      %dma_start3A_41 = tpu.memref_slice %arg12[%mul3A_2, %dma_start3A] : memref<10112x128xf32, #tpu.memory_space<vmem_shared>> -> memref<632x128xf32, #tpu.memory_space<vmem_shared>>
      tpu.enqueue_dma source(%arg4 : memref<632x128xf32, #tpu.memory_space<hbm>>) target(%dma_start3A_41 : memref<632x128xf32, #tpu.memory_space<vmem_shared>>) target_semaphore(%run_scoped3A : memref<!tpu.dma_semaphore, #tpu.memory_space<semaphore_mem>>)
      %dma_wait3A = arith.constant 0 : i32
      %dma_wait3A_42 = tpu.memref_slice %arg12[%mul3A_2, %dma_wait3A] : memref<10112x128xf32, #tpu.memory_space<vmem_shared>> -> memref<632x128xf32, #tpu.memory_space<vmem_shared>>
      tpu.wait_dma2 semaphore(%run_scoped3A : memref<!tpu.dma_semaphore, #tpu.memory_space<semaphore_mem>>) src(%arg4 : memref<632x128xf32, #tpu.memory_space<hbm>>) dst(%dma_wait3A_42 : memref<632x128xf32, #tpu.memory_space<vmem_shared>>)
      tpu.yield
    }) : () -> ()
    "tpu.region"() ({
      %run_scoped3A = tpu.sem_alloc : memref<!tpu.dma_semaphore, #tpu.memory_space<semaphore_mem>>
      tpu.enqueue_dma source(%arg5 : memref<128x128xf32, #tpu.memory_space<hbm>>) target(%arg10 : memref<128x128xf32, #tpu.memory_space<vmem>>) target_semaphore(%run_scoped3A : memref<!tpu.dma_semaphore, #tpu.memory_space<semaphore_mem>>)
      tpu.wait_dma2 semaphore(%run_scoped3A : memref<!tpu.dma_semaphore, #tpu.memory_space<semaphore_mem>>) src(%arg5 : memref<128x128xf32, #tpu.memory_space<hbm>>) dst(%arg10 : memref<128x128xf32, #tpu.memory_space<vmem>>)
      tpu.yield
    }) : () -> ()
    "tpu.region"() ({
      %run_scoped3A = tpu.sem_alloc : memref<!tpu.dma_semaphore, #tpu.memory_space<semaphore_mem>>
      tpu.enqueue_dma source(%arg5 : memref<128x128xf32, #tpu.memory_space<hbm>>) target(%arg11 : memref<128x128xf32, #tpu.memory_space<vmem>>) target_semaphore(%run_scoped3A : memref<!tpu.dma_semaphore, #tpu.memory_space<semaphore_mem>>)
      tpu.wait_dma2 semaphore(%run_scoped3A : memref<!tpu.dma_semaphore, #tpu.memory_space<semaphore_mem>>) src(%arg5 : memref<128x128xf32, #tpu.memory_space<hbm>>) dst(%arg11 : memref<128x128xf32, #tpu.memory_space<vmem>>)
      tpu.yield
    }) : () -> ()
    %barrier3A = arith.constant 0 : index
    tpu.barrier barrier_id(%barrier3A)
    %mul3A_3 = arith.constant 10240 : i32
    %mul3A_4 = arith.muli %add3A, %mul3A_3 : i32
    %add3A_5 = arith.constant 0 : i32
    %add3A_6 = arith.addi %mul3A_4, %add3A_5 : i32
    "tpu.region"() ({
      %run_scoped3A = tpu.sem_alloc : memref<!tpu.dma_semaphore, #tpu.memory_space<semaphore_mem>>
      %dma_start3A = tpu.memref_slice %arg2[%add3A_6] : memref<327680xi32, #tpu.memory_space<hbm>> -> memref<128xi32, #tpu.memory_space<hbm>>
      %dma_start3A_41 = tpu.memref_slice %arg2[%add3A_6] : memref<327680xi32, #tpu.memory_space<hbm>> -> memref<128xi32, #tpu.memory_space<hbm>>
      tpu.enqueue_dma source(%dma_start3A_41 : memref<128xi32, #tpu.memory_space<hbm>>) target(%arg7 : memref<128xi32, #tpu.memory_space<vmem>>) target_semaphore(%run_scoped3A : memref<!tpu.dma_semaphore, #tpu.memory_space<semaphore_mem>>)
      %dma_wait3A = tpu.memref_slice %arg2[%add3A_6] : memref<327680xi32, #tpu.memory_space<hbm>> -> memref<128xi32, #tpu.memory_space<hbm>>
      %dma_wait3A_42 = tpu.memref_slice %arg2[%add3A_6] : memref<327680xi32, #tpu.memory_space<hbm>> -> memref<128xi32, #tpu.memory_space<hbm>>
      tpu.wait_dma2 semaphore(%run_scoped3A : memref<!tpu.dma_semaphore, #tpu.memory_space<semaphore_mem>>) src(%dma_wait3A_42 : memref<128xi32, #tpu.memory_space<hbm>>) dst(%arg7 : memref<128xi32, #tpu.memory_space<vmem>>)
      tpu.yield
    }) : () -> ()
    "tpu.region"() ({
      %run_scoped3A = tpu.sem_alloc : memref<!tpu.dma_semaphore, #tpu.memory_space<semaphore_mem>>
      %dma_start3A = arith.constant 0 : i32
      %dma_start3A_41 = tpu.memref_slice %arg3[%add3A_6, %dma_start3A] : memref<327680x16xf32, #tpu.memory_space<hbm>> -> memref<128x16xf32, #tpu.memory_space<hbm>>
      %dma_start3A_42 = arith.constant 0 : i32
      %dma_start3A_43 = tpu.memref_slice %arg3[%add3A_6, %dma_start3A_42] : memref<327680x16xf32, #tpu.memory_space<hbm>> -> memref<128x16xf32, #tpu.memory_space<hbm>>
      tpu.enqueue_dma source(%dma_start3A_43 : memref<128x16xf32, #tpu.memory_space<hbm>>) target(%arg9 : memref<128x16xf32, #tpu.memory_space<vmem>>) target_semaphore(%run_scoped3A : memref<!tpu.dma_semaphore, #tpu.memory_space<semaphore_mem>>)
      %dma_wait3A = arith.constant 0 : i32
      %dma_wait3A_44 = tpu.memref_slice %arg3[%add3A_6, %dma_wait3A] : memref<327680x16xf32, #tpu.memory_space<hbm>> -> memref<128x16xf32, #tpu.memory_space<hbm>>
      %dma_wait3A_45 = arith.constant 0 : i32
      %dma_wait3A_46 = tpu.memref_slice %arg3[%add3A_6, %dma_wait3A_45] : memref<327680x16xf32, #tpu.memory_space<hbm>> -> memref<128x16xf32, #tpu.memory_space<hbm>>
      tpu.wait_dma2 semaphore(%run_scoped3A : memref<!tpu.dma_semaphore, #tpu.memory_space<semaphore_mem>>) src(%dma_wait3A_46 : memref<128x16xf32, #tpu.memory_space<hbm>>) dst(%arg9 : memref<128x16xf32, #tpu.memory_space<vmem>>)
      tpu.yield
    }) : () -> ()
    %scan3A = arith.constant 0 : i32
    %scan3A_7 = arith.constant 0 : i32
    %scan3A_8 = arith.constant 128 : i32
    %scan3A_9 = arith.addi %scan3A_7, %scan3A_8 : i32
    %scan3A_10 = arith.constant 1 : i32
    %scan3A_11 = scf.for %scan3A_41 = %scan3A_7 to %scan3A_9 step %scan3A_10 iter_args(%scan3A_42 = %scan3A) -> (i32)  : i32 {
      %get3A = arith.index_cast %scan3A_41 : i32 to index
      %get3A_43 = arith.constant 0 : index
      %get3A_44 = tpu.vector_load %arg9[%get3A, %get3A_43] {strides = array<i32>} : memref<128x16xf32, #tpu.memory_space<vmem>>, vector<1x16xf32>,
      %get3A_45 = vector.shape_cast %get3A_44 : vector<1x16xf32> to vector<16xf32>
      %swap3A = arith.index_cast %scan3A_41 : i32 to index
      %swap3A_46 = arith.constant 0 : index
      %swap3A_47 = tpu.vector_load %arg10[%swap3A, %swap3A_46] {strides = array<i32>} : memref<128x128xf32, #tpu.memory_space<vmem>>, vector<1x16xf32>,
      %swap3A_48 = vector.shape_cast %swap3A_47 : vector<1x16xf32> to vector<16xf32>
      %swap3A_49 = vector.shape_cast %get3A_45 : vector<16xf32> to vector<1x16xf32>
      tpu.vector_store %arg10[%swap3A, %swap3A_46], %swap3A_49 {strides = array<i32>} : memref<128x128xf32, #tpu.memory_space<vmem>>, vector<1x16xf32>,
      %scan3A_50 = arith.constant 0 : i32
      scf.yield %scan3A_50 : i32
    }
    %scan3A_12 = arith.constant 128 : i32
    %scan3A_13 = arith.constant 0 : i32
    %scan3A_14 = arith.constant 0 : i32
    %scan3A_15 = arith.constant 40 : i32
    %scan3A_16 = arith.addi %scan3A_14, %scan3A_15 : i32
    %scan3A_17 = arith.constant 1 : i32
    %scan3A_18 = scf.for %scan3A_41 = %scan3A_14 to %scan3A_16 step %scan3A_17 iter_args(%scan3A_42 = %scan3A_13) -> (i32)  : i32 {
      %mul3A_43 = arith.constant 2 : i32
      %mul3A_44 = arith.muli %scan3A_41, %mul3A_43 : i32
      %add3A_45 = arith.constant 0 : i32
      %add3A_46 = arith.addi %mul3A_44, %add3A_45 : i32
      %add3A_47 = arith.constant 1 : i32
      %add3A_48 = arith.addi %add3A_46, %add3A_47 : i32
      %lt3A = arith.constant 80 : i32
      %lt3A_49 = arith.cmpi slt, %add3A_48, %lt3A : i32
      %add3A_50 = arith.constant 1 : i32
      %add3A_51 = arith.addi %add3A_46, %add3A_50 : i32
      %select_n3A = arith.constant 0 : i32
      %select_n3A_52 = arith.select %lt3A_49, %add3A_51, %select_n3A : i32
      %mul3A_53 = arith.constant 128 : i32
      %mul3A_54 = arith.muli %select_n3A_52, %mul3A_53 : i32
      %add3A_55 = arith.addi %mul3A_4, %mul3A_54 : i32
      "tpu.region"() ({
        %run_scoped3A = tpu.sem_alloc : memref<!tpu.dma_semaphore, #tpu.memory_space<semaphore_mem>>
        %dma_start3A = tpu.memref_slice %arg2[%add3A_55] : memref<327680xi32, #tpu.memory_space<hbm>> -> memref<128xi32, #tpu.memory_space<hbm>>
        %dma_start3A_86 = tpu.memref_slice %arg2[%add3A_55] : memref<327680xi32, #tpu.memory_space<hbm>> -> memref<128xi32, #tpu.memory_space<hbm>>
        tpu.enqueue_dma source(%dma_start3A_86 : memref<128xi32, #tpu.memory_space<hbm>>) target(%arg8 : memref<128xi32, #tpu.memory_space<vmem>>) target_semaphore(%run_scoped3A : memref<!tpu.dma_semaphore, #tpu.memory_space<semaphore_mem>>)
        %dma_wait3A = tpu.memref_slice %arg2[%add3A_55] : memref<327680xi32, #tpu.memory_space<hbm>> -> memref<128xi32, #tpu.memory_space<hbm>>
        %dma_wait3A_87 = tpu.memref_slice %arg2[%add3A_55] : memref<327680xi32, #tpu.memory_space<hbm>> -> memref<128xi32, #tpu.memory_space<hbm>>
        tpu.wait_dma2 semaphore(%run_scoped3A : memref<!tpu.dma_semaphore, #tpu.memory_space<semaphore_mem>>) src(%dma_wait3A_87 : memref<128xi32, #tpu.memory_space<hbm>>) dst(%arg8 : memref<128xi32, #tpu.memory_space<vmem>>)
        tpu.yield
      }) : () -> ()
      "tpu.region"() ({
        %run_scoped3A = tpu.sem_alloc : memref<!tpu.dma_semaphore, #tpu.memory_space<semaphore_mem>>
        %dma_start3A = arith.constant 0 : i32
        %dma_start3A_86 = tpu.memref_slice %arg3[%add3A_55, %dma_start3A] : memref<327680x16xf32, #tpu.memory_space<hbm>> -> memref<128x16xf32, #tpu.memory_space<hbm>>
        %dma_start3A_87 = arith.constant 0 : i32
        %dma_start3A_88 = tpu.memref_slice %arg3[%add3A_55, %dma_start3A_87] : memref<327680x16xf32, #tpu.memory_space<hbm>> -> memref<128x16xf32, #tpu.memory_space<hbm>>
        tpu.enqueue_dma source(%dma_start3A_88 : memref<128x16xf32, #tpu.memory_space<hbm>>) target(%arg9 : memref<128x16xf32, #tpu.memory_space<vmem>>) target_semaphore(%run_scoped3A : memref<!tpu.dma_semaphore, #tpu.memory_space<semaphore_mem>>)
        %dma_wait3A = arith.constant 0 : i32
        %dma_wait3A_89 = tpu.memref_slice %arg3[%add3A_55, %dma_wait3A] : memref<327680x16xf32, #tpu.memory_space<hbm>> -> memref<128x16xf32, #tpu.memory_space<hbm>>
        %dma_wait3A_90 = arith.constant 0 : i32
        %dma_wait3A_91 = tpu.memref_slice %arg3[%add3A_55, %dma_wait3A_90] : memref<327680x16xf32, #tpu.memory_space<hbm>> -> memref<128x16xf32, #tpu.memory_space<hbm>>
        tpu.wait_dma2 semaphore(%run_scoped3A : memref<!tpu.dma_semaphore, #tpu.memory_space<semaphore_mem>>) src(%dma_wait3A_91 : memref<128x16xf32, #tpu.memory_space<hbm>>) dst(%arg9 : memref<128x16xf32, #tpu.memory_space<vmem>>)
        tpu.yield
      }) : () -> ()
      %scan3A_56 = arith.constant 0 : i32
      %scan3A_57 = arith.constant 0 : i32
      %scan3A_58 = arith.constant 128 : i32
      %scan3A_59 = arith.addi %scan3A_57, %scan3A_58 : i32
      %scan3A_60 = arith.constant 1 : i32
      %scan3A_61 = scf.for %scan3A_86 = %scan3A_57 to %scan3A_59 step %scan3A_60 iter_args(%scan3A_87 = %scan3A_56) -> (i32)  : i32 {
        %get3A = arith.index_cast %scan3A_86 : i32 to index
        %get3A_88 = arith.constant 0 : index
        %get3A_89 = tpu.vector_load %arg9[%get3A, %get3A_88] {strides = array<i32>} : memref<128x16xf32, #tpu.memory_space<vmem>>, vector<1x16xf32>,
        %get3A_90 = vector.shape_cast %get3A_89 : vector<1x16xf32> to vector<16xf32>
        %swap3A = arith.index_cast %scan3A_86 : i32 to index
        %swap3A_91 = arith.constant 0 : index
        %swap3A_92 = tpu.vector_load %arg11[%swap3A, %swap3A_91] {strides = array<i32>} : memref<128x128xf32, #tpu.memory_space<vmem>>, vector<1x16xf32>,
        %swap3A_93 = vector.shape_cast %swap3A_92 : vector<1x16xf32> to vector<16xf32>
        %swap3A_94 = vector.shape_cast %get3A_90 : vector<16xf32> to vector<1x16xf32>
        tpu.vector_store %arg11[%swap3A, %swap3A_91], %swap3A_94 {strides = array<i32>} : memref<128x128xf32, #tpu.memory_space<vmem>>, vector<1x16xf32>,
        %scan3A_95 = arith.constant 0 : i32
        scf.yield %scan3A_95 : i32
      }
      %scan3A_62 = arith.constant 128 : i32
      "tpu.region"() ({
        %run_scoped3A = tpu.sem_alloc : memref<!tpu.dma_semaphore, #tpu.memory_space<semaphore_mem>>
        %dma_start3A = arith.constant 0 : i32
        %dma_start3A_86 = arith.constant 0 : i32
        %dma_start3A_87 = tpu.memref_slice %arg12[%dma_start3A, %dma_start3A_86] : memref<10112x128xf32, #tpu.memory_space<vmem_shared>> -> memref<10112x128xf32, #tpu.memory_space<vmem_shared>>
        tpu.enqueue_indirect_dma source(%arg10 : memref<128x128xf32, #tpu.memory_space<vmem>>) target(%dma_start3A_87 : memref<10112x128xf32, #tpu.memory_space<vmem_shared>>) offsets(%arg7 : memref<128xi32, #tpu.memory_space<vmem>>) semaphore(%run_scoped3A : memref<!tpu.dma_semaphore, #tpu.memory_space<semaphore_mem>>) {add = true}
        %dma_wait3A = arith.constant 0 : i32
        %dma_wait3A_88 = arith.constant 0 : i32
        %dma_wait3A_89 = tpu.memref_slice %arg12[%dma_wait3A, %dma_wait3A_88] : memref<10112x128xf32, #tpu.memory_space<vmem_shared>> -> memref<10112x128xf32, #tpu.memory_space<vmem_shared>>
        tpu.wait_indirect_dma semaphore(%run_scoped3A : memref<!tpu.dma_semaphore, #tpu.memory_space<semaphore_mem>>) src(%arg10 : memref<128x128xf32, #tpu.memory_space<vmem>>) dst(%dma_wait3A_89 : memref<10112x128xf32, #tpu.memory_space<vmem_shared>>)
        tpu.yield
      }) : () -> ()
      %mul3A_63 = arith.constant 2 : i32
      %mul3A_64 = arith.muli %scan3A_41, %mul3A_63 : i32
      %add3A_65 = arith.constant 1 : i32
      %add3A_66 = arith.addi %mul3A_64, %add3A_65 : i32
      %add3A_67 = arith.constant 1 : i32
      %add3A_68 = arith.addi %add3A_66, %add3A_67 : i32
      %lt3A_69 = arith.constant 80 : i32
      %lt3A_70 = arith.cmpi slt, %add3A_68, %lt3A_69 : i32
      %add3A_71 = arith.constant 1 : i32
      %add3A_72 = arith.addi %add3A_66, %add3A_71 : i32
      %select_n3A_73 = arith.constant 0 : i32
      %select_n3A_74 = arith.select %lt3A_70, %add3A_72, %select_n3A_73 : i32
      %mul3A_75 = arith.constant 128 : i32
      %mul3A_76 = arith.muli %select_n3A_74, %mul3A_75 : i32
      %add3A_77 = arith.addi %mul3A_4, %mul3A_76 : i32
      "tpu.region"() ({
        %run_scoped3A = tpu.sem_alloc : memref<!tpu.dma_semaphore, #tpu.memory_space<semaphore_mem>>
        %dma_start3A = tpu.memref_slice %arg2[%add3A_77] : memref<327680xi32, #tpu.memory_space<hbm>> -> memref<128xi32, #tpu.memory_space<hbm>>
        %dma_start3A_86 = tpu.memref_slice %arg2[%add3A_77] : memref<327680xi32, #tpu.memory_space<hbm>> -> memref<128xi32, #tpu.memory_space<hbm>>
        tpu.enqueue_dma source(%dma_start3A_86 : memref<128xi32, #tpu.memory_space<hbm>>) target(%arg7 : memref<128xi32, #tpu.memory_space<vmem>>) target_semaphore(%run_scoped3A : memref<!tpu.dma_semaphore, #tpu.memory_space<semaphore_mem>>)
        %dma_wait3A = tpu.memref_slice %arg2[%add3A_77] : memref<327680xi32, #tpu.memory_space<hbm>> -> memref<128xi32, #tpu.memory_space<hbm>>
        %dma_wait3A_87 = tpu.memref_slice %arg2[%add3A_77] : memref<327680xi32, #tpu.memory_space<hbm>> -> memref<128xi32, #tpu.memory_space<hbm>>
        tpu.wait_dma2 semaphore(%run_scoped3A : memref<!tpu.dma_semaphore, #tpu.memory_space<semaphore_mem>>) src(%dma_wait3A_87 : memref<128xi32, #tpu.memory_space<hbm>>) dst(%arg7 : memref<128xi32, #tpu.memory_space<vmem>>)
        tpu.yield
      }) : () -> ()
      "tpu.region"() ({
        %run_scoped3A = tpu.sem_alloc : memref<!tpu.dma_semaphore, #tpu.memory_space<semaphore_mem>>
        %dma_start3A = arith.constant 0 : i32
        %dma_start3A_86 = tpu.memref_slice %arg3[%add3A_77, %dma_start3A] : memref<327680x16xf32, #tpu.memory_space<hbm>> -> memref<128x16xf32, #tpu.memory_space<hbm>>
        %dma_start3A_87 = arith.constant 0 : i32
        %dma_start3A_88 = tpu.memref_slice %arg3[%add3A_77, %dma_start3A_87] : memref<327680x16xf32, #tpu.memory_space<hbm>> -> memref<128x16xf32, #tpu.memory_space<hbm>>
        tpu.enqueue_dma source(%dma_start3A_88 : memref<128x16xf32, #tpu.memory_space<hbm>>) target(%arg9 : memref<128x16xf32, #tpu.memory_space<vmem>>) target_semaphore(%run_scoped3A : memref<!tpu.dma_semaphore, #tpu.memory_space<semaphore_mem>>)
        %dma_wait3A = arith.constant 0 : i32
        %dma_wait3A_89 = tpu.memref_slice %arg3[%add3A_77, %dma_wait3A] : memref<327680x16xf32, #tpu.memory_space<hbm>> -> memref<128x16xf32, #tpu.memory_space<hbm>>
        %dma_wait3A_90 = arith.constant 0 : i32
        %dma_wait3A_91 = tpu.memref_slice %arg3[%add3A_77, %dma_wait3A_90] : memref<327680x16xf32, #tpu.memory_space<hbm>> -> memref<128x16xf32, #tpu.memory_space<hbm>>
        tpu.wait_dma2 semaphore(%run_scoped3A : memref<!tpu.dma_semaphore, #tpu.memory_space<semaphore_mem>>) src(%dma_wait3A_91 : memref<128x16xf32, #tpu.memory_space<hbm>>) dst(%arg9 : memref<128x16xf32, #tpu.memory_space<vmem>>)
        tpu.yield
      }) : () -> ()
      %scan3A_78 = arith.constant 0 : i32
      %scan3A_79 = arith.constant 0 : i32
      %scan3A_80 = arith.constant 128 : i32
      %scan3A_81 = arith.addi %scan3A_79, %scan3A_80 : i32
      %scan3A_82 = arith.constant 1 : i32
      %scan3A_83 = scf.for %scan3A_86 = %scan3A_79 to %scan3A_81 step %scan3A_82 iter_args(%scan3A_87 = %scan3A_78) -> (i32)  : i32 {
        %get3A = arith.index_cast %scan3A_86 : i32 to index
        %get3A_88 = arith.constant 0 : index
        %get3A_89 = tpu.vector_load %arg9[%get3A, %get3A_88] {strides = array<i32>} : memref<128x16xf32, #tpu.memory_space<vmem>>, vector<1x16xf32>,
        %get3A_90 = vector.shape_cast %get3A_89 : vector<1x16xf32> to vector<16xf32>
        %swap3A = arith.index_cast %scan3A_86 : i32 to index
        %swap3A_91 = arith.constant 0 : index
        %swap3A_92 = tpu.vector_load %arg10[%swap3A, %swap3A_91] {strides = array<i32>} : memref<128x128xf32, #tpu.memory_space<vmem>>, vector<1x16xf32>,
        %swap3A_93 = vector.shape_cast %swap3A_92 : vector<1x16xf32> to vector<16xf32>
        %swap3A_94 = vector.shape_cast %get3A_90 : vector<16xf32> to vector<1x16xf32>
        tpu.vector_store %arg10[%swap3A, %swap3A_91], %swap3A_94 {strides = array<i32>} : memref<128x128xf32, #tpu.memory_space<vmem>>, vector<1x16xf32>,
        %scan3A_95 = arith.constant 0 : i32
        scf.yield %scan3A_95 : i32
      }
      %scan3A_84 = arith.constant 128 : i32
      "tpu.region"() ({
        %run_scoped3A = tpu.sem_alloc : memref<!tpu.dma_semaphore, #tpu.memory_space<semaphore_mem>>
        %dma_start3A = arith.constant 0 : i32
        %dma_start3A_86 = arith.constant 0 : i32
        %dma_start3A_87 = tpu.memref_slice %arg12[%dma_start3A, %dma_start3A_86] : memref<10112x128xf32, #tpu.memory_space<vmem_shared>> -> memref<10112x128xf32, #tpu.memory_space<vmem_shared>>
        tpu.enqueue_indirect_dma source(%arg11 : memref<128x128xf32, #tpu.memory_space<vmem>>) target(%dma_start3A_87 : memref<10112x128xf32, #tpu.memory_space<vmem_shared>>) offsets(%arg8 : memref<128xi32, #tpu.memory_space<vmem>>) semaphore(%run_scoped3A : memref<!tpu.dma_semaphore, #tpu.memory_space<semaphore_mem>>) {add = true}
        %dma_wait3A = arith.constant 0 : i32
        %dma_wait3A_88 = arith.constant 0 : i32
        %dma_wait3A_89 = tpu.memref_slice %arg12[%dma_wait3A, %dma_wait3A_88] : memref<10112x128xf32, #tpu.memory_space<vmem_shared>> -> memref<10112x128xf32, #tpu.memory_space<vmem_shared>>
        tpu.wait_indirect_dma semaphore(%run_scoped3A : memref<!tpu.dma_semaphore, #tpu.memory_space<semaphore_mem>>) src(%arg11 : memref<128x128xf32, #tpu.memory_space<vmem>>) dst(%dma_wait3A_89 : memref<10112x128xf32, #tpu.memory_space<vmem_shared>>)
        tpu.yield
      }) : () -> ()
      %scan3A_85 = arith.constant 0 : i32
      scf.yield %scan3A_85 : i32
    }
    %scan3A_19 = arith.constant 40 : i32
    %barrier3A_20 = arith.constant 0 : index
    tpu.barrier barrier_id(%barrier3A_20)
    %add3A_21 = arith.constant 0 : i32
    %add3A_22 = arith.addi %mul3A_2, %add3A_21 : i32
    %add3A_23 = arith.constant 0 : i32
    %add3A_24 = arith.addi %mul3A_2, %add3A_23 : i32
    "tpu.region"() ({
      %run_scoped3A = tpu.sem_alloc : memref<!tpu.dma_semaphore, #tpu.memory_space<semaphore_mem>>
      %dma_start3A = arith.constant 0 : i32
      %dma_start3A_41 = tpu.memref_slice %arg6[%arg0, %add3A_24, %dma_start3A] : memref<2x10112x128xf32, #tpu.memory_space<hbm>> -> memref<1x128x128xf32, #tpu.memory_space<hbm>>
      %dma_start3A_42 = tpu.memref_squeeze %dma_start3A_41 : memref<1x128x128xf32, #tpu.memory_space<hbm>> -> memref<128x128xf32, #tpu.memory_space<hbm>>
      %dma_start3A_43 = arith.constant 0 : i32
      %dma_start3A_44 = tpu.memref_slice %arg12[%add3A_22, %dma_start3A_43] : memref<10112x128xf32, #tpu.memory_space<vmem_shared>> -> memref<128x128xf32, #tpu.memory_space<vmem_shared>>
      tpu.enqueue_dma source(%dma_start3A_44 : memref<128x128xf32, #tpu.memory_space<vmem_shared>>) target(%dma_start3A_42 : memref<128x128xf32, #tpu.memory_space<hbm>>) target_semaphore(%run_scoped3A : memref<!tpu.dma_semaphore, #tpu.memory_space<semaphore_mem>>)
      %dma_wait3A = arith.constant 0 : i32
      %dma_wait3A_45 = tpu.memref_slice %arg6[%arg0, %add3A_24, %dma_wait3A] : memref<2x10112x128xf32, #tpu.memory_space<hbm>> -> memref<1x128x128xf32, #tpu.memory_space<hbm>>
      %dma_wait3A_46 = tpu.memref_squeeze %dma_wait3A_45 : memref<1x128x128xf32, #tpu.memory_space<hbm>> -> memref<128x128xf32, #tpu.memory_space<hbm>>
      %dma_wait3A_47 = arith.constant 0 : i32
      %dma_wait3A_48 = tpu.memref_slice %arg12[%add3A_22, %dma_wait3A_47] : memref<10112x128xf32, #tpu.memory_space<vmem_shared>> -> memref<128x128xf32, #tpu.memory_space<vmem_shared>>
      tpu.wait_dma2 semaphore(%run_scoped3A : memref<!tpu.dma_semaphore, #tpu.memory_space<semaphore_mem>>) src(%dma_wait3A_48 : memref<128x128xf32, #tpu.memory_space<vmem_shared>>) dst(%dma_wait3A_46 : memref<128x128xf32, #tpu.memory_space<hbm>>)
      tpu.yield
    }) : () -> ()
    %add3A_25 = arith.constant 128 : i32
    %add3A_26 = arith.addi %mul3A_2, %add3A_25 : i32
    %add3A_27 = arith.constant 128 : i32
    %add3A_28 = arith.addi %mul3A_2, %add3A_27 : i32
    "tpu.region"() ({
      %run_scoped3A = tpu.sem_alloc : memref<!tpu.dma_semaphore, #tpu.memory_space<semaphore_mem>>
      %dma_start3A = arith.constant 0 : i32
      %dma_start3A_41 = tpu.memref_slice %arg6[%arg0, %add3A_28, %dma_start3A] : memref<2x10112x128xf32, #tpu.memory_space<hbm>> -> memref<1x128x128xf32, #tpu.memory_space<hbm>>
      %dma_start3A_42 = tpu.memref_squeeze %dma_start3A_41 : memref<1x128x128xf32, #tpu.memory_space<hbm>> -> memref<128x128xf32, #tpu.memory_space<hbm>>
      %dma_start3A_43 = arith.constant 0 : i32
      %dma_start3A_44 = tpu.memref_slice %arg12[%add3A_26, %dma_start3A_43] : memref<10112x128xf32, #tpu.memory_space<vmem_shared>> -> memref<128x128xf32, #tpu.memory_space<vmem_shared>>
      tpu.enqueue_dma source(%dma_start3A_44 : memref<128x128xf32, #tpu.memory_space<vmem_shared>>) target(%dma_start3A_42 : memref<128x128xf32, #tpu.memory_space<hbm>>) target_semaphore(%run_scoped3A : memref<!tpu.dma_semaphore, #tpu.memory_space<semaphore_mem>>)
      %dma_wait3A = arith.constant 0 : i32
      %dma_wait3A_45 = tpu.memref_slice %arg6[%arg0, %add3A_28, %dma_wait3A] : memref<2x10112x128xf32, #tpu.memory_space<hbm>> -> memref<1x128x128xf32, #tpu.memory_space<hbm>>
      %dma_wait3A_46 = tpu.memref_squeeze %dma_wait3A_45 : memref<1x128x128xf32, #tpu.memory_space<hbm>> -> memref<128x128xf32, #tpu.memory_space<hbm>>
      %dma_wait3A_47 = arith.constant 0 : i32
      %dma_wait3A_48 = tpu.memref_slice %arg12[%add3A_26, %dma_wait3A_47] : memref<10112x128xf32, #tpu.memory_space<vmem_shared>> -> memref<128x128xf32, #tpu.memory_space<vmem_shared>>
      tpu.wait_dma2 semaphore(%run_scoped3A : memref<!tpu.dma_semaphore, #tpu.memory_space<semaphore_mem>>) src(%dma_wait3A_48 : memref<128x128xf32, #tpu.memory_space<vmem_shared>>) dst(%dma_wait3A_46 : memref<128x128xf32, #tpu.memory_space<hbm>>)
      tpu.yield
    }) : () -> ()
    %add3A_29 = arith.constant 256 : i32
    %add3A_30 = arith.addi %mul3A_2, %add3A_29 : i32
    %add3A_31 = arith.constant 256 : i32
    %add3A_32 = arith.addi %mul3A_2, %add3A_31 : i32
    "tpu.region"() ({
      %run_scoped3A = tpu.sem_alloc : memref<!tpu.dma_semaphore, #tpu.memory_space<semaphore_mem>>
      %dma_start3A = arith.constant 0 : i32
      %dma_start3A_41 = tpu.memref_slice %arg6[%arg0, %add3A_32, %dma_start3A] : memref<2x10112x128xf32, #tpu.memory_space<hbm>> -> memref<1x128x128xf32, #tpu.memory_space<hbm>>
      %dma_start3A_42 = tpu.memref_squeeze %dma_start3A_41 : memref<1x128x128xf32, #tpu.memory_space<hbm>> -> memref<128x128xf32, #tpu.memory_space<hbm>>
      %dma_start3A_43 = arith.constant 0 : i32
      %dma_start3A_44 = tpu.memref_slice %arg12[%add3A_30, %dma_start3A_43] : memref<10112x128xf32, #tpu.memory_space<vmem_shared>> -> memref<128x128xf32, #tpu.memory_space<vmem_shared>>
      tpu.enqueue_dma source(%dma_start3A_44 : memref<128x128xf32, #tpu.memory_space<vmem_shared>>) target(%dma_start3A_42 : memref<128x128xf32, #tpu.memory_space<hbm>>) target_semaphore(%run_scoped3A : memref<!tpu.dma_semaphore, #tpu.memory_space<semaphore_mem>>)
      %dma_wait3A = arith.constant 0 : i32
      %dma_wait3A_45 = tpu.memref_slice %arg6[%arg0, %add3A_32, %dma_wait3A] : memref<2x10112x128xf32, #tpu.memory_space<hbm>> -> memref<1x128x128xf32, #tpu.memory_space<hbm>>
      %dma_wait3A_46 = tpu.memref_squeeze %dma_wait3A_45 : memref<1x128x128xf32, #tpu.memory_space<hbm>> -> memref<128x128xf32, #tpu.memory_space<hbm>>
      %dma_wait3A_47 = arith.constant 0 : i32
      %dma_wait3A_48 = tpu.memref_slice %arg12[%add3A_30, %dma_wait3A_47] : memref<10112x128xf32, #tpu.memory_space<vmem_shared>> -> memref<128x128xf32, #tpu.memory_space<vmem_shared>>
      tpu.wait_dma2 semaphore(%run_scoped3A : memref<!tpu.dma_semaphore, #tpu.memory_space<semaphore_mem>>) src(%dma_wait3A_48 : memref<128x128xf32, #tpu.memory_space<vmem_shared>>) dst(%dma_wait3A_46 : memref<128x128xf32, #tpu.memory_space<hbm>>)
      tpu.yield
    }) : () -> ()
    %add3A_33 = arith.constant 384 : i32
    %add3A_34 = arith.addi %mul3A_2, %add3A_33 : i32
    %add3A_35 = arith.constant 384 : i32
    %add3A_36 = arith.addi %mul3A_2, %add3A_35 : i32
    "tpu.region"() ({
      %run_scoped3A = tpu.sem_alloc : memref<!tpu.dma_semaphore, #tpu.memory_space<semaphore_mem>>
      %dma_start3A = arith.constant 0 : i32
      %dma_start3A_41 = tpu.memref_slice %arg6[%arg0, %add3A_36, %dma_start3A] : memref<2x10112x128xf32, #tpu.memory_space<hbm>> -> memref<1x128x128xf32, #tpu.memory_space<hbm>>
      %dma_start3A_42 = tpu.memref_squeeze %dma_start3A_41 : memref<1x128x128xf32, #tpu.memory_space<hbm>> -> memref<128x128xf32, #tpu.memory_space<hbm>>
      %dma_start3A_43 = arith.constant 0 : i32
      %dma_start3A_44 = tpu.memref_slice %arg12[%add3A_34, %dma_start3A_43] : memref<10112x128xf32, #tpu.memory_space<vmem_shared>> -> memref<128x128xf32, #tpu.memory_space<vmem_shared>>
      tpu.enqueue_dma source(%dma_start3A_44 : memref<128x128xf32, #tpu.memory_space<vmem_shared>>) target(%dma_start3A_42 : memref<128x128xf32, #tpu.memory_space<hbm>>) target_semaphore(%run_scoped3A : memref<!tpu.dma_semaphore, #tpu.memory_space<semaphore_mem>>)
      %dma_wait3A = arith.constant 0 : i32
      %dma_wait3A_45 = tpu.memref_slice %arg6[%arg0, %add3A_36, %dma_wait3A] : memref<2x10112x128xf32, #tpu.memory_space<hbm>> -> memref<1x128x128xf32, #tpu.memory_space<hbm>>
      %dma_wait3A_46 = tpu.memref_squeeze %dma_wait3A_45 : memref<1x128x128xf32, #tpu.memory_space<hbm>> -> memref<128x128xf32, #tpu.memory_space<hbm>>
      %dma_wait3A_47 = arith.constant 0 : i32
      %dma_wait3A_48 = tpu.memref_slice %arg12[%add3A_34, %dma_wait3A_47] : memref<10112x128xf32, #tpu.memory_space<vmem_shared>> -> memref<128x128xf32, #tpu.memory_space<vmem_shared>>
      tpu.wait_dma2 semaphore(%run_scoped3A : memref<!tpu.dma_semaphore, #tpu.memory_space<semaphore_mem>>) src(%dma_wait3A_48 : memref<128x128xf32, #tpu.memory_space<vmem_shared>>) dst(%dma_wait3A_46 : memref<128x128xf32, #tpu.memory_space<hbm>>)
      tpu.yield
    }) : () -> ()
    %add3A_37 = arith.constant 512 : i32
    %add3A_38 = arith.addi %mul3A_2, %add3A_37 : i32
    %add3A_39 = arith.constant 512 : i32
    %add3A_40 = arith.addi %mul3A_2, %add3A_39 : i32
    "tpu.region"() ({
      %run_scoped3A = tpu.sem_alloc : memref<!tpu.dma_semaphore, #tpu.memory_space<semaphore_mem>>
      %dma_start3A = arith.constant 0 : i32
      %dma_start3A_41 = tpu.memref_slice %arg6[%arg0, %add3A_40, %dma_start3A] : memref<2x10112x128xf32, #tpu.memory_space<hbm>> -> memref<1x120x128xf32, #tpu.memory_space<hbm>>
      %dma_start3A_42 = tpu.memref_squeeze %dma_start3A_41 : memref<1x120x128xf32, #tpu.memory_space<hbm>> -> memref<120x128xf32, #tpu.memory_space<hbm>>
      %dma_start3A_43 = arith.constant 0 : i32
      %dma_start3A_44 = tpu.memref_slice %arg12[%add3A_38, %dma_start3A_43] : memref<10112x128xf32, #tpu.memory_space<vmem_shared>> -> memref<120x128xf32, #tpu.memory_space<vmem_shared>>
      tpu.enqueue_dma source(%dma_start3A_44 : memref<120x128xf32, #tpu.memory_space<vmem_shared>>) target(%dma_start3A_42 : memref<120x128xf32, #tpu.memory_space<hbm>>) target_semaphore(%run_scoped3A : memref<!tpu.dma_semaphore, #tpu.memory_space<semaphore_mem>>)
      %dma_wait3A = arith.constant 0 : i32
      %dma_wait3A_45 = tpu.memref_slice %arg6[%arg0, %add3A_40, %dma_wait3A] : memref<2x10112x128xf32, #tpu.memory_space<hbm>> -> memref<1x120x128xf32, #tpu.memory_space<hbm>>
      %dma_wait3A_46 = tpu.memref_squeeze %dma_wait3A_45 : memref<1x120x128xf32, #tpu.memory_space<hbm>> -> memref<120x128xf32, #tpu.memory_space<hbm>>
      %dma_wait3A_47 = arith.constant 0 : i32
      %dma_wait3A_48 = tpu.memref_slice %arg12[%add3A_38, %dma_wait3A_47] : memref<10112x128xf32, #tpu.memory_space<vmem_shared>> -> memref<120x128xf32, #tpu.memory_space<vmem_shared>>
      tpu.wait_dma2 semaphore(%run_scoped3A : memref<!tpu.dma_semaphore, #tpu.memory_space<semaphore_mem>>) src(%dma_wait3A_48 : memref<120x128xf32, #tpu.memory_space<vmem_shared>>) dst(%dma_wait3A_46 : memref<120x128xf32, #tpu.memory_space<hbm>>)
      tpu.yield
    }) : () -> ()
    return
  }
}

module attributes {stable_mosaic.version = 14 : i64} {
  func.func @_tc_body(%arg0: i32, %arg1: memref<2x1000x128xf32, #tpu.memory_space<vmem>>, %arg2: memref<2x1000x128xf32, #tpu.memory_space<vmem>>, %arg3: memref<1000x1xi32, #tpu.memory_space<vmem>>, %arg4: memref<128x128xf32, #tpu.memory_space<vmem>>, %arg5: memref<16x128xf32, #tpu.memory_space<vmem>>, %arg6: memref<1x128xf32, #tpu.memory_space<vmem>>, %arg7: memref<128x128xf32, #tpu.memory_space<vmem>>, %arg8: memref<32x128xf32, #tpu.memory_space<vmem>>, %arg9: memref<1x128xf32, #tpu.memory_space<vmem>>, %arg10: memref<16x32xf32, #tpu.memory_space<vmem>>, %arg11: memref<32x32xf32, #tpu.memory_space<vmem>>, %arg12: memref<128x32xf32, #tpu.memory_space<vmem>>, %arg13: memref<1x32xf32, #tpu.memory_space<vmem>>, %arg14: memref<1000x128xf32, #tpu.memory_space<vmem>>, %arg15: memref<16x32xf32, #tpu.memory_space<vmem>>, %arg16: memref<16x128xf32, #tpu.memory_space<vmem>>, %arg17: memref<16x128xf32, #tpu.memory_space<vmem>>) attributes {dimension_semantics = [#tpu.dimension_semantics<arbitrary>], iteration_bounds = array<i64: 10>, scalar_prefetch = 0 : i64, scratch_operands = 2 : i64, tpu.core_type = #tpu.core_type<tc>, window_params = [{transform_indices = @transform_0, window_bounds = array<i64: 2, 1000, 128>}, {transform_indices = @transform_1, window_bounds = array<i64: 2, 1000, 128>}, {transform_indices = @transform_2, window_bounds = array<i64: 1000, 1>}, {pipeline_mode = #tpu.pipeline_mode<synchronous>, transform_indices = @transform_3, window_bounds = array<i64: 128, 128>}, {pipeline_mode = #tpu.pipeline_mode<synchronous>, transform_indices = @transform_4, window_bounds = array<i64: 16, 128>}, {pipeline_mode = #tpu.pipeline_mode<synchronous>, transform_indices = @transform_5, window_bounds = array<i64: 1, 128>}, {pipeline_mode = #tpu.pipeline_mode<synchronous>, transform_indices = @transform_6, window_bounds = array<i64: 128, 128>}, {pipeline_mode = #tpu.pipeline_mode<synchronous>, transform_indices = @transform_7, window_bounds = array<i64: 32, 128>}, {pipeline_mode = #tpu.pipeline_mode<synchronous>, transform_indices = @transform_8, window_bounds = array<i64: 1, 128>}, {pipeline_mode = #tpu.pipeline_mode<synchronous>, transform_indices = @transform_9, window_bounds = array<i64: 16, 32>}, {pipeline_mode = #tpu.pipeline_mode<synchronous>, transform_indices = @transform_10, window_bounds = array<i64: 32, 32>}, {pipeline_mode = #tpu.pipeline_mode<synchronous>, transform_indices = @transform_11, window_bounds = array<i64: 128, 32>}, {pipeline_mode = #tpu.pipeline_mode<synchronous>, transform_indices = @transform_12, window_bounds = array<i64: 1, 32>}, {transform_indices = @transform_13, window_bounds = array<i64: 1000, 128>}, {pipeline_mode = #tpu.pipeline_mode<synchronous>, transform_indices = @transform_14, window_bounds = array<i64: 16, 32>}]} {
    %eq3A = arith.constant 0 : i32
    %eq3A_0 = arith.cmpi eq, %arg0, %eq3A : i32
    %convert_element_type3A = arith.extui %eq3A_0 : i1 to i32
    %cond3A = arith.constant 0 : i32
    %cond3A_1 = arith.cmpi ne, %convert_element_type3A, %cond3A : i32
    scf.if %cond3A_1 {
      %broadcast_in_dim3A_98 = arith.constant 0.000000e+00 : f32
      %broadcast_in_dim3A_99 = vector.broadcast %broadcast_in_dim3A_98 : f32 to vector<16x128xf32>
      %swap3A_100 = arith.constant 0 : index
      %swap3A_101 = arith.constant 0 : index
      %swap3A_102 = vector.load %arg16[%swap3A_100, %swap3A_101] : memref<16x128xf32, #tpu.memory_space<vmem>>, vector<16x128xf32>
      tpu.vector_store %arg16[%swap3A_100, %swap3A_101], %broadcast_in_dim3A_99 {strides = array<i32>} : memref<16x128xf32, #tpu.memory_space<vmem>>, vector<16x128xf32>,
      %broadcast_in_dim3A_103 = arith.constant 0.000000e+00 : f32
      %broadcast_in_dim3A_104 = vector.broadcast %broadcast_in_dim3A_103 : f32 to vector<16x128xf32>
      %swap3A_105 = arith.constant 0 : index
      %swap3A_106 = arith.constant 0 : index
      %swap3A_107 = vector.load %arg17[%swap3A_105, %swap3A_106] : memref<16x128xf32, #tpu.memory_space<vmem>>, vector<16x128xf32>
      tpu.vector_store %arg17[%swap3A_105, %swap3A_106], %broadcast_in_dim3A_104 {strides = array<i32>} : memref<16x128xf32, #tpu.memory_space<vmem>>, vector<16x128xf32>,
    } else {
    }
    %get3A = arith.constant 0 : index
    %get3A_2 = arith.constant 0 : index
    %get3A_3 = arith.constant 0 : index
    %get3A_4 = vector.load %arg1[%get3A, %get3A_2, %get3A_3] : memref<2x1000x128xf32, #tpu.memory_space<vmem>>, vector<1x1000x128xf32>
    %get3A_5 = vector.shape_cast %get3A_4 : vector<1x1000x128xf32> to vector<1000x128xf32>
    %get3A_6 = arith.constant 1 : index
    %get3A_7 = arith.constant 0 : index
    %get3A_8 = arith.constant 0 : index
    %get3A_9 = vector.load %arg1[%get3A_6, %get3A_7, %get3A_8] : memref<2x1000x128xf32, #tpu.memory_space<vmem>>, vector<1x1000x128xf32>
    %get3A_10 = vector.shape_cast %get3A_9 : vector<1x1000x128xf32> to vector<1000x128xf32>
    %add3A = arith.addf %get3A_5, %get3A_10 : vector<1000x128xf32>
    %get3A_11 = arith.constant 0 : index
    %get3A_12 = arith.constant 0 : index
    %get3A_13 = arith.constant 0 : index
    %get3A_14 = vector.load %arg2[%get3A_11, %get3A_12, %get3A_13] : memref<2x1000x128xf32, #tpu.memory_space<vmem>>, vector<1x1000x128xf32>
    %get3A_15 = vector.shape_cast %get3A_14 : vector<1x1000x128xf32> to vector<1000x128xf32>
    %get3A_16 = arith.constant 1 : index
    %get3A_17 = arith.constant 0 : index
    %get3A_18 = arith.constant 0 : index
    %get3A_19 = vector.load %arg2[%get3A_16, %get3A_17, %get3A_18] : memref<2x1000x128xf32, #tpu.memory_space<vmem>>, vector<1x1000x128xf32>
    %get3A_20 = vector.shape_cast %get3A_19 : vector<1x1000x128xf32> to vector<1000x128xf32>
    %add3A_21 = arith.addf %get3A_15, %get3A_20 : vector<1000x128xf32>
    %slice3A = vector.extract_strided_slice %add3A_21 {offsets = [0, 0], sizes = [1000, 16], strides = [1, 1]} : vector<1000x128xf32> to vector<1000x16xf32>
    %slice3A_22 = vector.extract_strided_slice %add3A_21 {offsets = [0, 16], sizes = [1000, 1], strides = [1, 1]} : vector<1000x128xf32> to vector<1000x1xf32>
    %max3A = arith.constant 1.000000e+00 : f32
    %max3A_23 = vector.broadcast %max3A : f32 to vector<1000x1xf32>
    %max3A_24 = arith.maximumf %slice3A_22, %max3A_23 : vector<1000x1xf32>
    %get3A_25 = arith.constant 0 : index
    %get3A_26 = arith.constant 0 : index
    %get3A_27 = vector.load %arg4[%get3A_25, %get3A_26] : memref<128x128xf32, #tpu.memory_space<vmem>>, vector<128x128xf32>
    %dot_general3A = arith.constant dense<0.000000e+00> : vector<1000x128xf32>
    %dot_general3A_28 = tpu.matmul %add3A, %get3A_27, %dot_general3A {dimension_numbers = #tpu.dot_dimension_numbers<[1], [0], [0], [1], [0, 0, 1, 1], [], []>, transpose_lhs_hint = false} : vector<1000x128xf32>, vector<128x128xf32>, vector<1000x128xf32> -> vector<1000x128xf32>
    %get3A_29 = arith.constant 0 : index
    %get3A_30 = arith.constant 0 : index
    %get3A_31 = vector.load %arg5[%get3A_29, %get3A_30] : memref<16x128xf32, #tpu.memory_space<vmem>>, vector<16x128xf32>
    %dot_general3A_32 = arith.constant dense<0.000000e+00> : vector<1000x128xf32>
    %dot_general3A_33 = tpu.matmul %slice3A, %get3A_31, %dot_general3A_32 {dimension_numbers = #tpu.dot_dimension_numbers<[1], [0], [0], [1], [0, 0, 1, 1], [], []>, transpose_lhs_hint = false} : vector<1000x16xf32>, vector<16x128xf32>, vector<1000x128xf32> -> vector<1000x128xf32>
    %add3A_34 = arith.addf %dot_general3A_28, %dot_general3A_33 : vector<1000x128xf32>
    %get3A_35 = arith.constant 0 : index
    %get3A_36 = arith.constant 0 : index
    %get3A_37 = vector.load %arg6[%get3A_35, %get3A_36] : memref<1x128xf32, #tpu.memory_space<vmem>>, vector<1x128xf32>
    %mul3A = vector.broadcast %slice3A_22 : vector<1000x1xf32> to vector<1000x128xf32>
    %mul3A_38 = vector.broadcast %get3A_37 : vector<1x128xf32> to vector<1000x128xf32>
    %mul3A_39 = arith.mulf %mul3A, %mul3A_38 : vector<1000x128xf32>
    %add3A_40 = arith.addf %add3A_34, %mul3A_39 : vector<1000x128xf32>
    %div3A = vector.broadcast %max3A_24 : vector<1000x1xf32> to vector<1000x128xf32>
    %div3A_41 = arith.divf %add3A_40, %div3A : vector<1000x128xf32>
    %get3A_42 = arith.constant 0 : index
    %get3A_43 = arith.constant 0 : index
    %get3A_44 = vector.load %arg3[%get3A_42, %get3A_43] : memref<1000x1xi32, #tpu.memory_space<vmem>>, vector<1000x1xi32>
    %squeeze3A = vector.shape_cast %get3A_44 : vector<1000x1xi32> to vector<1000xi32>
    %broadcast_in_dim3A = vector.shape_cast %squeeze3A : vector<1000xi32> to vector<1000x1xi32>
    %iota3A = tpu.iota {dimensions = array<i32: 1>} : vector<1x16xi32>
    %eq3A_45 = vector.broadcast %broadcast_in_dim3A : vector<1000x1xi32> to vector<1000x16xi32>
    %eq3A_46 = vector.broadcast %iota3A : vector<1x16xi32> to vector<1000x16xi32>
    %eq3A_47 = arith.cmpi eq, %eq3A_45, %eq3A_46 : vector<1000x16xi32>
    %convert_element_type3A_48 = arith.extui %eq3A_47 : vector<1000x16xi1> to vector<1000x16xi32>
    %convert_element_type3A_49 = arith.sitofp %convert_element_type3A_48 : vector<1000x16xi32> to vector<1000x16xf32>
    %get3A_50 = arith.constant 0 : index
    %get3A_51 = arith.constant 0 : index
    %get3A_52 = vector.load %arg10[%get3A_50, %get3A_51] : memref<16x32xf32, #tpu.memory_space<vmem>>, vector<16x32xf32>
    %dot_general3A_53 = arith.constant dense<0.000000e+00> : vector<1000x32xf32>
    %dot_general3A_54 = tpu.matmul %convert_element_type3A_49, %get3A_52, %dot_general3A_53 {dimension_numbers = #tpu.dot_dimension_numbers<[1], [0], [0], [1], [0, 0, 1, 1], [], []>, transpose_lhs_hint = false} : vector<1000x16xf32>, vector<16x32xf32>, vector<1000x32xf32> -> vector<1000x32xf32>
    %get3A_55 = arith.constant 0 : index
    %get3A_56 = arith.constant 0 : index
    %get3A_57 = vector.load %arg7[%get3A_55, %get3A_56] : memref<128x128xf32, #tpu.memory_space<vmem>>, vector<128x128xf32>
    %dot_general3A_58 = arith.constant dense<0.000000e+00> : vector<1000x128xf32>
    %dot_general3A_59 = tpu.matmul %div3A_41, %get3A_57, %dot_general3A_58 {dimension_numbers = #tpu.dot_dimension_numbers<[1], [0], [0], [1], [0, 0, 1, 1], [], []>, transpose_lhs_hint = false} : vector<1000x128xf32>, vector<128x128xf32>, vector<1000x128xf32> -> vector<1000x128xf32>
    %get3A_60 = arith.constant 0 : index
    %get3A_61 = arith.constant 0 : index
    %get3A_62 = vector.load %arg8[%get3A_60, %get3A_61] : memref<32x128xf32, #tpu.memory_space<vmem>>, vector<32x128xf32>
    %dot_general3A_63 = arith.constant dense<0.000000e+00> : vector<1000x128xf32>
    %dot_general3A_64 = tpu.matmul %dot_general3A_54, %get3A_62, %dot_general3A_63 {dimension_numbers = #tpu.dot_dimension_numbers<[1], [0], [0], [1], [0, 0, 1, 1], [], []>, transpose_lhs_hint = false} : vector<1000x32xf32>, vector<32x128xf32>, vector<1000x128xf32> -> vector<1000x128xf32>
    %add3A_65 = arith.addf %dot_general3A_59, %dot_general3A_64 : vector<1000x128xf32>
    %get3A_66 = arith.constant 0 : index
    %get3A_67 = arith.constant 0 : index
    %get3A_68 = vector.load %arg9[%get3A_66, %get3A_67] : memref<1x128xf32, #tpu.memory_space<vmem>>, vector<1x128xf32>
    %add3A_69 = vector.broadcast %get3A_68 : vector<1x128xf32> to vector<1000x128xf32>
    %add3A_70 = arith.addf %add3A_65, %add3A_69 : vector<1000x128xf32>
    %swap3A = arith.constant 0 : index
    %swap3A_71 = arith.constant 0 : index
    %swap3A_72 = vector.load %arg14[%swap3A, %swap3A_71] : memref<1000x128xf32, #tpu.memory_space<vmem>>, vector<1000x128xf32>
    tpu.vector_store %arg14[%swap3A, %swap3A_71], %add3A_70 {strides = array<i32>} : memref<1000x128xf32, #tpu.memory_space<vmem>>, vector<1000x128xf32>,
    %get3A_73 = arith.constant 0 : index
    %get3A_74 = arith.constant 0 : index
    %get3A_75 = vector.load %arg16[%get3A_73, %get3A_74] : memref<16x128xf32, #tpu.memory_space<vmem>>, vector<16x128xf32>
    %dot_general3A_76 = arith.constant dense<0.000000e+00> : vector<16x128xf32>
    %dot_general3A_77 = tpu.matmul %convert_element_type3A_49, %add3A_70, %dot_general3A_76 {dimension_numbers = #tpu.dot_dimension_numbers<[0], [0], [1], [1], [0, 1, 1, 1], [], []>, transpose_lhs_hint = false} : vector<1000x16xf32>, vector<1000x128xf32>, vector<16x128xf32> -> vector<16x128xf32>
    %add3A_78 = arith.addf %get3A_75, %dot_general3A_77 : vector<16x128xf32>
    %swap3A_79 = arith.constant 0 : index
    %swap3A_80 = arith.constant 0 : index
    %swap3A_81 = vector.load %arg16[%swap3A_79, %swap3A_80] : memref<16x128xf32, #tpu.memory_space<vmem>>, vector<16x128xf32>
    tpu.vector_store %arg16[%swap3A_79, %swap3A_80], %add3A_78 {strides = array<i32>} : memref<16x128xf32, #tpu.memory_space<vmem>>, vector<16x128xf32>,
    %get3A_82 = arith.constant 0 : index
    %get3A_83 = arith.constant 0 : index
    %get3A_84 = vector.load %arg17[%get3A_82, %get3A_83] : memref<16x128xf32, #tpu.memory_space<vmem>>, vector<16x128xf32>
    %reduce_sum3A = arith.constant dense<0.000000e+00> : vector<16xf32>
    %reduce_sum3A_85 = vector.multi_reduction <add>, %convert_element_type3A_49, %reduce_sum3A [0] : vector<1000x16xf32> to vector<16xf32>
    %broadcast_in_dim3A_86 = vector.shape_cast %reduce_sum3A_85 : vector<16xf32> to vector<16x1xf32>
    %broadcast_in_dim3A_87 = vector.shape_cast %broadcast_in_dim3A_86 : vector<16x1xf32> to vector<16x1xf32>
    %broadcast_in_dim3A_88 = vector.broadcast %broadcast_in_dim3A_87 : vector<16x1xf32> to vector<16x128xf32>
    %add3A_89 = arith.addf %get3A_84, %broadcast_in_dim3A_88 : vector<16x128xf32>
    %swap3A_90 = arith.constant 0 : index
    %swap3A_91 = arith.constant 0 : index
    %swap3A_92 = vector.load %arg17[%swap3A_90, %swap3A_91] : memref<16x128xf32, #tpu.memory_space<vmem>>, vector<16x128xf32>
    tpu.vector_store %arg17[%swap3A_90, %swap3A_91], %add3A_89 {strides = array<i32>} : memref<16x128xf32, #tpu.memory_space<vmem>>, vector<16x128xf32>,
    %eq3A_93 = arith.constant 9 : i32
    %eq3A_94 = arith.cmpi eq, %arg0, %eq3A_93 : i32
    %convert_element_type3A_95 = arith.extui %eq3A_94 : i1 to i32
    %cond3A_96 = arith.constant 0 : i32
    %cond3A_97 = arith.cmpi ne, %convert_element_type3A_95, %cond3A_96 : i32
    scf.if %cond3A_97 {
      %get3A_98 = arith.constant 0 : index
      %get3A_99 = arith.constant 0 : index
      %get3A_100 = vector.load %arg16[%get3A_98, %get3A_99] : memref<16x128xf32, #tpu.memory_space<vmem>>, vector<16x128xf32>
      %get3A_101 = arith.constant 0 : index
      %get3A_102 = arith.constant 0 : index
      %get3A_103 = vector.load %arg17[%get3A_101, %get3A_102] : memref<16x128xf32, #tpu.memory_space<vmem>>, vector<16x128xf32>
      %max3A_104 = arith.constant 1.000000e+00 : f32
      %max3A_105 = vector.broadcast %max3A_104 : f32 to vector<16x128xf32>
      %max3A_106 = arith.maximumf %get3A_103, %max3A_105 : vector<16x128xf32>
      %div3A_107 = arith.divf %get3A_100, %max3A_106 : vector<16x128xf32>
      %get3A_108 = arith.constant 0 : index
      %get3A_109 = arith.constant 0 : index
      %get3A_110 = vector.load %arg10[%get3A_108, %get3A_109] : memref<16x32xf32, #tpu.memory_space<vmem>>, vector<16x32xf32>
      %get3A_111 = arith.constant 0 : index
      %get3A_112 = arith.constant 0 : index
      %get3A_113 = vector.load %arg11[%get3A_111, %get3A_112] : memref<32x32xf32, #tpu.memory_space<vmem>>, vector<32x32xf32>
      %dot_general3A_114 = arith.constant dense<0.000000e+00> : vector<16x32xf32>
      %dot_general3A_115 = tpu.matmul %get3A_110, %get3A_113, %dot_general3A_114 {dimension_numbers = #tpu.dot_dimension_numbers<[1], [0], [0], [1], [0, 0, 1, 1], [], []>, transpose_lhs_hint = false} : vector<16x32xf32>, vector<32x32xf32>, vector<16x32xf32> -> vector<16x32xf32>
      %get3A_116 = arith.constant 0 : index
      %get3A_117 = arith.constant 0 : index
      %get3A_118 = vector.load %arg12[%get3A_116, %get3A_117] : memref<128x32xf32, #tpu.memory_space<vmem>>, vector<128x32xf32>
      %dot_general3A_119 = arith.constant dense<0.000000e+00> : vector<16x32xf32>
      %dot_general3A_120 = tpu.matmul %div3A_107, %get3A_118, %dot_general3A_119 {dimension_numbers = #tpu.dot_dimension_numbers<[1], [0], [0], [1], [0, 0, 1, 1], [], []>, transpose_lhs_hint = false} : vector<16x128xf32>, vector<128x32xf32>, vector<16x32xf32> -> vector<16x32xf32>
      %add3A_121 = arith.addf %dot_general3A_115, %dot_general3A_120 : vector<16x32xf32>
      %get3A_122 = arith.constant 0 : index
      %get3A_123 = arith.constant 0 : index
      %get3A_124 = vector.load %arg13[%get3A_122, %get3A_123] : memref<1x32xf32, #tpu.memory_space<vmem>>, vector<1x32xf32>
      %add3A_125 = vector.broadcast %get3A_124 : vector<1x32xf32> to vector<16x32xf32>
      %add3A_126 = arith.addf %add3A_121, %add3A_125 : vector<16x32xf32>
      %swap3A_127 = arith.constant 0 : index
      %swap3A_128 = arith.constant 0 : index
      %swap3A_129 = vector.load %arg15[%swap3A_127, %swap3A_128] : memref<16x32xf32, #tpu.memory_space<vmem>>, vector<16x32xf32>
      tpu.vector_store %arg15[%swap3A_127, %swap3A_128], %add3A_126 {strides = array<i32>} : memref<16x32xf32, #tpu.memory_space<vmem>>, vector<16x32xf32>,
    } else {
    }
    return
  }
  func.func @transform_0(%arg0: i32) -> (i32, i32, i32) {
    %c0_i32 = arith.constant 0 : i32
    %c0_i32_0 = arith.constant 0 : i32
    %c0_i32_1 = arith.constant 0 : i32
    return %c0_i32, %arg0, %c0_i32_0 : i32, i32, i32
  }
  func.func @transform_1(%arg0: i32) -> (i32, i32, i32) {
    %c0_i32 = arith.constant 0 : i32
    %c0_i32_0 = arith.constant 0 : i32
    %c0_i32_1 = arith.constant 0 : i32
    return %c0_i32, %arg0, %c0_i32_0 : i32, i32, i32
  }
  func.func @transform_2(%arg0: i32) -> (i32, i32) {
    %c0_i32 = arith.constant 0 : i32
    %c0_i32_0 = arith.constant 0 : i32
    return %arg0, %c0_i32 : i32, i32
  }
  func.func @transform_3(%arg0: i32) -> (i32, i32) {
    %c0_i32 = arith.constant 0 : i32
    %c0_i32_0 = arith.constant 0 : i32
    %c0_i32_1 = arith.constant 0 : i32
    return %c0_i32, %c0_i32_0 : i32, i32
  }
  func.func @transform_4(%arg0: i32) -> (i32, i32) {
    %c0_i32 = arith.constant 0 : i32
    %c0_i32_0 = arith.constant 0 : i32
    %c0_i32_1 = arith.constant 0 : i32
    return %c0_i32, %c0_i32_0 : i32, i32
  }
  func.func @transform_5(%arg0: i32) -> (i32, i32) {
    %c0_i32 = arith.constant 0 : i32
    %c0_i32_0 = arith.constant 0 : i32
    %c0_i32_1 = arith.constant 0 : i32
    return %c0_i32, %c0_i32_0 : i32, i32
  }
  func.func @transform_6(%arg0: i32) -> (i32, i32) {
    %c0_i32 = arith.constant 0 : i32
    %c0_i32_0 = arith.constant 0 : i32
    %c0_i32_1 = arith.constant 0 : i32
    return %c0_i32, %c0_i32_0 : i32, i32
  }
  func.func @transform_7(%arg0: i32) -> (i32, i32) {
    %c0_i32 = arith.constant 0 : i32
    %c0_i32_0 = arith.constant 0 : i32
    %c0_i32_1 = arith.constant 0 : i32
    return %c0_i32, %c0_i32_0 : i32, i32
  }
  func.func @transform_8(%arg0: i32) -> (i32, i32) {
    %c0_i32 = arith.constant 0 : i32
    %c0_i32_0 = arith.constant 0 : i32
    %c0_i32_1 = arith.constant 0 : i32
    return %c0_i32, %c0_i32_0 : i32, i32
  }
  func.func @transform_9(%arg0: i32) -> (i32, i32) {
    %c0_i32 = arith.constant 0 : i32
    %c0_i32_0 = arith.constant 0 : i32
    %c0_i32_1 = arith.constant 0 : i32
    return %c0_i32, %c0_i32_0 : i32, i32
  }
  func.func @transform_10(%arg0: i32) -> (i32, i32) {
    %c0_i32 = arith.constant 0 : i32
    %c0_i32_0 = arith.constant 0 : i32
    %c0_i32_1 = arith.constant 0 : i32
    return %c0_i32, %c0_i32_0 : i32, i32
  }
  func.func @transform_11(%arg0: i32) -> (i32, i32) {
    %c0_i32 = arith.constant 0 : i32
    %c0_i32_0 = arith.constant 0 : i32
    %c0_i32_1 = arith.constant 0 : i32
    return %c0_i32, %c0_i32_0 : i32, i32
  }
  func.func @transform_12(%arg0: i32) -> (i32, i32) {
    %c0_i32 = arith.constant 0 : i32
    %c0_i32_0 = arith.constant 0 : i32
    %c0_i32_1 = arith.constant 0 : i32
    return %c0_i32, %c0_i32_0 : i32, i32
  }
  func.func @transform_13(%arg0: i32) -> (i32, i32) {
    %c0_i32 = arith.constant 0 : i32
    %c0_i32_0 = arith.constant 0 : i32
    return %arg0, %c0_i32 : i32, i32
  }
  func.func @transform_14(%arg0: i32) -> (i32, i32) {
    %c0_i32 = arith.constant 0 : i32
    %c0_i32_0 = arith.constant 0 : i32
    %c0_i32_1 = arith.constant 0 : i32
    return %c0_i32, %c0_i32_0 : i32, i32
  }
}

</mosaic_0001>

<sc_bundles>
// kernel: kernel.5.cloned.1.call-start
scs
__scs_entry_jumppad:
0x0: {  	(pc) =	sbr.rel $0x88, $3  }
0x1: {  	(tag) =	ssettag $0x0;
	lr =	simm.s32 $0x1  }
0x2: {  	[smem:$0x3F96] =	sst lr;
	_ =	strace $0xD0000000  }
0x3: {  	_ = 	snop  }
0x4: {  	_ = 	snop  }
0x5: {  	_ = 	snop  }
0x6: {  	_ = 	snop  }
0x7: {  	_ = 	snop  }
__scs_overlays_trampoline_lowered:
0x8: {  	[smem:$0x3FA5] =	sst s0  }
0x9: {  	[smem:$0x3FA6] =	sst s1  }
0xa: {  	[smem:$0x3FA7] =	sst s2  }
0xb: {  	[smem:$0x3FA8] =	sst s3  }
0xc: {  	[smem:$0x3FA9] =	sst s4  }
0xd: {  	[smem:$0x3FAA] =	sst s5  }
0xe: {  	[smem:$0x3FAB] =	sst s6  }
0xf: {  	[smem:$0x3FAC] =	sst s7  }
0x10: {  	[smem:$0x3FAD] =	sst s8  }
0x11: {  	[smem:$0x3FAE] =	sst s9;
	s0 =	simm.s32 @!p0 $0x0  }
0x12: {  	s1 =	sld [smem:$0x3F94];
	s0 =	simm.s32 @p0 $0x1  }
0x13: {  	[smem:$0x3FAF] =	sst s0;
	s0 =	simm.s32 @!p1 $0x0  }
0x14: {  	s2 =	sld [smem:$0x3F93];
	s0 =	simm.s32 @p1 $0x1  }
0x15: {  	[smem:$0x3FB0] =	sst s0;
	s0 =	simm.s32 @!p2 $0x0  }
0x16: {  	s3 =	sld [smem:$0x3FDB];
	s0 =	simm.s32 @p2 $0x1  }
0x17: {  	s4 =	simm.s32 $0x1BF5;
	[smem:$0x3FB2] =	sst s0  }
0x18: {  	s0 =	sld [smem:$0x3F95];
	_ =	swait.ge [sflag:s4], $0x0  }
0x19: {  	s7 =	sld [smem:$0x3F96]  }
0x1a: {  	s8 =	sadd.s32 $0xFFFFE003, lr  }
0x1b: {  	s9 =	sadd.s32 $0xFFFFFEF7, lr;
	s5 =	simm.s32 $0xFFFFFFFF;
	p2 =	slt.u32 s8, $0xFFFFF086  }
0x1c: {  	p1 =	slt.u32 s9, $0xF7A;
	s5 =	simm.s32 @!p2 $0x0  }
0x1d: {  	s5 =	simm.s32 @p1 $0x1;
	p0 =	seq.s32 s7, s2  }
0x1e: {  	s7 =	smul.u32 @!p0 $0xF7A, s2;
	p2 =	seq.s32 @!p0 s5, $0x0  }
0x1f: {  	s9 =	smul.u32 $0xF7A, s1;
	s8 =	simm.s32 @!p0 $0x1BF5;
	p2 =	por !p2, p0  }
0x20: {  	[sflag:s8] =	ssyncset.s32 @!p0 $0xFFFFF086;
	s6 =	sadd.s32 @!p0 s3, s7;
	s7 =	simm.s32 @!p0 $0x108  }
0x21: {  	s3 =	sadd.s32 s3, s9;
	s6 =	sadd.s32 @!p0 $0x88, s6;
	s7 =	simm.s32 @p2 $0x1082  }
0x22: {  	[simem:s7], [sflag:s8] =	dma.local @!p0 [hbm:s6], $0xF7A  }
0x23: {  	s9 =	sor.u32 $0xD0000000, s2;
	s6 =	simm.s32 $0x108;
	_ =	swait.ge @!p0 [sflag:s8], $0x0  }
0x24: {  	s3 =	sadd.s32 $0x88, s3;
	s6 =	simm.s32 @!p1 $0x1082;
	[sflag:s4] =	ssyncset.s32 $0xFFFFF086  }
0x25: {  	[simem:s6], [sflag:s4] =	dma.local [hbm:s3], $0xF7A  }
0x26: {  	[smem:$0x3F96] =	sst s1;
	(tag) =	ssettag s2;
	_ =	strace s9  }
0x27: {  	s1 =	sld [smem:$0x3FA6]  }
0x28: {  	s2 =	sld [smem:$0x3FA7]  }
0x29: {  	s4 =	sld [smem:$0x3FA9]  }
0x2a: {  	p0 =	seq.s32 s5, $0x0;
	s5 =	sld [smem:$0x3FAA]  }
0x2b: {  	s6 =	sld [smem:$0x3FAB]  }
0x2c: {  	s7 =	sld [smem:$0x3FAC]  }
0x2d: {  	s3 =	simm.s32 $0x108;
	s8 =	sld [smem:$0x3FAD]  }
0x2e: {  	s3 =	simm.s32 @!p0 $0x1082;
	s9 =	sld [smem:$0x3FAE]  }
0x2f: {  	lr =	sadd.s32 s0, s3;
	s0 =	sld [smem:$0x3FA5]  }
0x30: {  	s3 =	sld [smem:$0x3FA8]  }
0x31: {  	[smem:$0x3FB1] =	sst s10  }
0x32: {  	s10 =	sld [smem:$0x3FAF];
	_ =	sdelay $0x3  }
0x33: {  	p0 =	seq.s32 s10, $0x1;
	s10 =	sld [smem:$0x3FB1];
	_ =	sdelay $0x3  }
0x34: {  	[smem:$0x3FB1] =	sst s10  }
0x35: {  	s10 =	sld [smem:$0x3FB0];
	_ =	sdelay $0x3  }
0x36: {  	p1 =	seq.s32 s10, $0x1;
	s10 =	sld [smem:$0x3FB1];
	_ =	sdelay $0x3  }
0x37: {  	[smem:$0x3FB1] =	sst s10  }
0x38: {  	s10 =	sld [smem:$0x3FB2]  }
0x39: {  	_ = 	snop;
	(pc) =	sbr.ind lr, $3  }
0x3a: {  	_ = 	snop  }
0x3b: {  	_ = 	snop  }
0x3c: {  	p2 =	seq.s32 s10, $0x1;
	s10 =	sld [smem:$0x3FB1]  }
0x3d: {  	_ =	shalt  }
0x3e: {  	_ =	shalt  }
0x3f: {  	_ =	shalt  }
0x40: {  	_ =	shalt  }
0x41: {  	_ =	shalt  }
0x42: {  	_ =	shalt  }
0x43: {  	_ =	shalt  }
0x44: {  	_ =	shalt  }
0x45: {  	_ =	shalt  }
0x46: {  	_ =	shalt  }
0x47: {  	_ =	shalt  }
0x48: {  	_ =	shalt  }
0x49: {  	_ =	shalt  }
0x4a: {  	_ =	shalt  }
0x4b: {  	_ =	shalt  }
0x4c: {  	_ =	shalt  }
0x4d: {  	_ =	shalt  }
0x4e: {  	_ =	shalt  }
0x4f: {  	_ =	shalt  }
0x50: {  	_ =	shalt  }
0x51: {  	_ =	shalt  }
0x52: {  	_ =	shalt  }
0x53: {  	_ =	shalt  }
0x54: {  	_ =	shalt  }
0x55: {  	_ =	shalt  }
0x56: {  	_ =	shalt  }
0x57: {  	_ =	shalt  }
0x58: {  	_ =	shalt  }
0x59: {  	_ =	shalt  }
0x5a: {  	_ =	shalt  }
0x5b: {  	_ =	shalt  }
0x5c: {  	_ =	shalt  }
0x5d: {  	_ =	shalt  }
0x5e: {  	_ =	shalt  }
0x5f: {  	_ =	shalt  }
0x60: {  	_ =	shalt  }
0x61: {  	_ =	shalt  }
0x62: {  	_ =	shalt  }
0x63: {  	_ =	shalt  }
0x64: {  	_ =	shalt  }
0x65: {  	_ =	shalt  }
0x66: {  	_ =	shalt  }
0x67: {  	_ =	shalt  }
0x68: {  	_ =	shalt  }
0x69: {  	_ =	shalt  }
0x6a: {  	_ =	shalt  }
0x6b: {  	_ =	shalt  }
0x6c: {  	_ =	shalt  }
0x6d: {  	_ =	shalt  }
0x6e: {  	_ =	shalt  }
0x6f: {  	_ =	shalt  }
0x70: {  	_ =	shalt  }
0x71: {  	_ =	shalt  }
0x72: {  	_ =	shalt  }
0x73: {  	_ =	shalt  }
0x74: {  	_ =	shalt  }
0x75: {  	_ =	shalt  }
0x76: {  	_ =	shalt  }
0x77: {  	_ =	shalt  }
0x78: {  	_ =	shalt  }
0x79: {  	_ =	shalt  }
0x7a: {  	_ =	shalt  }
0x7b: {  	_ =	shalt  }
0x7c: {  	_ =	shalt  }
0x7d: {  	_ =	shalt  }
0x7e: {  	_ =	shalt  }
0x7f: {  	_ =	shalt  }
0x80: {  	_ =	shalt  }
0x81: {  	_ =	shalt  }
0x82: {  	_ =	shalt  }
0x83: {  	_ =	shalt  }
0x84: {  	_ =	shalt  }
0x85: {  	_ =	shalt  }
0x86: {  	_ =	shalt  }
0x87: {  	_ =	shalt  }
.Lfunc_end0:
.L_simem_size_0:
called_computation_lowered:
.L_overlay_start_0:
0x88: {  	s2 =	sld [smem:$0x3FD9]  }
0x89: {  	s3 =	sld [smem:$0x3FFE];
	_ =	sdelay $0x1  }
0x8a: {  	s1 =	srdreg.scid  }
0x8b: {  	s0 =	sand.u32 $0x1, s1  }
0x8c: {  	s14 =	sshll.u32 s0, $0xA;
	s2 =	sadd.s32 s3, s2  }
0x8d: {  	s2 =	sadd.s32 s2, s14  }
0x8e: {  	[smem:$0x3FBD] =	sst s2  }
0x8f: {  	_ = 	snop  }
0x90: {  	s2 =	sld [smem:$0x3FD0];
	_ =	sdelay $0x2  }
0x91: {  	s4 =	simm.s32 $0xB;
	s5 =	simm.s32 $0x10;
	s15 =	sld [smem:$0x3FC9]  }
0x92: {  	[smem:s5], [sflag:s4] =	dma.local [hbm:s2], $0x1  }
0x93: {  	_ =	swait.eq [sflag:s4], $0x1  }
0x94: {  	[sflag:s4] =	ssyncset.done $0x0  }
0x95: {  	[sflag:s4] =	ssyncadd.s32 $0xFFFFFFFF  }
0x96: {  	s16 =	sld [smem:$0x10];
	(tm) =	ssettm $0x1  }
0x97: {  	s17 =	sld [smem:$0x3FFB];
	_ =	sdelay $0x3  }
0x98: {  	_ =	strace s17  }
0x99: {  	s4 =	sld [smem:$0x3FFC];
	_ =	sdelay $0x3  }
0x9a: {  	_ =	strace s4  }
0x9b: {  	s4 =	sld [smem:$0x3FFD];
	_ =	sdelay $0x3  }
0x9c: {  	_ =	strace s4  }
0x9d: {  	_ =	strace $0x8FFFFFFF  }
0x9e: {  	s18 =	sld [smem:$0x3FDB];
	_ =	sdelay $0x1  }
0x9f: {  	s19 =	simm.s32 $_scs_section_size  }
0xa0: {  	s6 =	simm.s32 $_size__tile_overlayer_lowered;
	s7 =	simm.s32 $_tile_overlayer_lowered  }
0xa1: {  	s22 =	simm.s32 $0x1BFF;
	s21 =	sshll.u32 s7, $0x1;
	s4 =	sadd.s32 s19, s18  }
0xa2: {  	s8 =	simm.s32 $0x0;
	s20 =	sshll.u32 s6, $0x1;
	s6 =	sadd.s32 s21, s4  }
0xa3: {  	[timem:s8], [sflag:s22] =	dma.local [hbm:s6], s20  }
0xa4: {  	_ =	swait.ge [sflag:s22], s20  }
0xa5: {  	s5 =	ssub.s32 $0x0, s20;
	[sflag:s22] =	ssyncset.done $0x0  }
0xa6: {  	[sflag:s22] =	ssyncadd.s32 s5;
	_ =	sdelay $0x1  }
0xa7: {  	s23 =	simm.s32 $0x1B8B  }
0xa8: {  	_ =	swait.ge [sflag:s23], $0x1  }
0xa9: {  	[sflag:s23] =	ssyncset.done $0x0  }
0xaa: {  	s25 =	simm.s32 $0x1B8E;
	s24 =	sld [smem:$0x3FFE];
	[sflag:s23] =	ssyncadd.s32 $0xFFFFFFFF  }
0xab: {  	s26 =	simm.s32 $execute0_lowered;
	[smem:$0x3FD2] =	sst s25  }
0xac: {  	s6 =	sshll.u32 s26, $0x1;
	_ =	strace $0x80000046;
	[dreg:$0x1] =	wrdreg $0xFFFFFFFF  }
0xad: {  	s28 =	simm.s32 $_size_execute0_lowered;
	s4 =	sadd.s32 s4, s6;
	[dreg:$0x0] =	wrdreg $0x0  }
0xae: {  	s6 =	sshll.u32 s28, $0x1;
	[dreg:$0x2] =	wrdreg s4  }
0xaf: {  	[dreg:$0x3] =	wrdreg s6  }
0xb0: {  	[dreg:$0x4] =	wrdreg $0xC0  }
0xb1: {  	_ =	task [dreg:s8], $0x5FFFF  }
0xb2: {  	[dreg:$0x1] =	wrdreg $0xFFFFFFFF  }
0xb3: {  	[dreg:$0x0] =	wrdreg $0x60  }
0xb4: {  	[dreg:$0x2] =	wrdreg s16  }
0xb5: {  	[dreg:$0x3] =	wrdreg s24  }
0xb6: {  	[dreg:$0x4] =	wrdreg s15  }
0xb7: {  	[dreg:$0x5] =	wrdreg $0x82000  }
0xb8: {  	[dreg:$0x6] =	wrdreg $0x9  }
0xb9: {  	_ =	task.clear_ibuf [dreg:s8], $0x7FFFF;
	_ =	strace $0x90000046  }
0xba: {  	s29 =	simm.s32 $0x9;
	_ =	strace $0x80000048  }
0xbb: {  	_ =	swait.ge [sflag:s29], $0x1  }
0xbc: {  	[sflag:s29] =	ssyncadd.s32 $0xFFFFFFFF  }
0xbd: {  	_ =	strace $0x90000048  }
0xbe: {  	_ =	sfence  }
0xbf: {  	s30 =	sld [smem:$0x0];
	_ =	sdelay $0x2  }
0xc0: {  	s31 =	sshll.u32 s1, $0xD;
	s1 =	sshrl.u32 s1, $0x2  }
0xc1: {  	s3 =	sand.u32 $0x4000, s31;
	s1 =	sadd.s32 s1, s30  }
0xc2: {  	s0 =	sor.u32 s3, s0;
	s1 =	sshll.u32 s1, $0x11  }
0xc3: {  	s0 =	sor.u32 s1, s0  }
0xc4: {  	s0 =	sadd.s32 $0x8F2B, s0  }
0xc5: {  	[sflag:s0] =	ssyncadd.remote.s32 $0x1  }
0xc6: {  	_ =	sfence.sel $0xFFFF  }
0xc7: {  	[dreg:$0x0] =	wrdreg $0xFFFFFFFF;
	(pc) =	sbr.abs _section_cstart, $3  }
0xc8: {  	[dreg:$0x1] =	wrdreg $0xFFFFFFFF  }
0xc9: {  	_ =	task.clear_ibuf [dreg:s8], $0x2FFFF;
	_ =	strace $0x9FFFFFFF  }
0xca: {  	(tm) =	ssettm $0x7FFFFFFF  }
0xcb: {  	_ =	shalt  }
tec
execute0_lowered:
.L_overlay_start_1:
0x0: {  	(tag) =	ssettag $0x1  }
0x1: {  	s12 =	rddreg [dreg:$0x0]  }
0x2: {  	s6 =	rddreg [dreg:$0x1]  }
0x3: {  	s0 =	srdreg.scid;
	s2 =	rddreg [dreg:$0x2]  }
0x4: {  	s3 =	rddreg [dreg:$0x3];
	s7 =	sand.u32 $0x1, s0  }
0x5: {  	s0 =	stileid.u32;
	s5 =	smul.u32 $0x28000, s7  }
0x6: {  	s1 =	rddreg [dreg:$0x4];
	s8 =	smul.u32 $0x2800, s0  }
0x7: {  	s4 =	simm.s32 $0x0;
	s20 =	simm.s32 $0x0;
	s9 =	smul.u32 $0x4F000, s0  }
0x8: {  	[smem:$0x7FF] =	sst s4;
	s22 =	ssub.s32 $0x2, s7;
	s7 =	smul.u32 $0x13C000, s7  }
0x9: {  	s10 =	sadd.s32 $0xEE00, s6;
	_ =	strace $0x80000047;
	s15 =	smul.u32 $0x13C00, s0  }
0xa: {  	s14 =	sshll.u32 s0, $0x6;
	s23 =	sshrl.u32 s22, $0x1;
	s5 =	sadd.s32 s8, s5  }
0xb: {  	s9 =	sshrl.u32 s9, $0x2;
	s16 =	ssub.s32 s22, s23;
	s24 =	sadd.s32 s15, s7  }
0xc: {  	s25 =	sadd.s32 $0x8000, s15;
	s26 =	sadd.s32 $0x10000, s15;
	s15 =	simm.s32 $0x100  }
0xd: {  	s13 =	sshrl.u32 s5, $0x3;
	s5 =	sadd.s32 $0xC600, s6;
	s17 =	sadd.s32 s9, s3  }
0xe: {  	s8 =	sshrl.u32 s24, $0x3;
	s28 =	sadd.s32 s7, s25;
	s18 =	sadd.s32 s7, s26  }
0xf: {  	s31 =	sadd.s32 s25, s3;
	s19 =	sadd.s32 s26, s3;
	s11 =	sadd.s32 s13, s6  }
0x10: {  	s6 =	sor.u32 $0x1C02, s14;
	s7 =	sadd.s32 s10, s8;
	s29 =	sshrl.u32 s28, $0x3  }
0x11: {  	s30 =	sshrl.u32 s18, $0x3;
	s12 =	sadd.s32 s13, s12;
	s13 =	sshrl.u32 s17, $0x3  }
0x12: {  	s14 =	simm.s32 $0x2;
	s17 =	simm.s32 $0x1;
	s18 =	sshrl.u32 s31, $0x3  }
0x13: {  	s19 =	sshrl.u32 s19, $0x3;
	s8 =	sadd.s32 s10, s29;
	s9 =	sadd.s32 s10, s30  }
0x14: {  	s10 =	smax.u32 s16, $0x1;
	s11 =	sadd.s32 $0x2600, s11;
	s16 =	simm.s32 $0x200  }
.LBB2_1:
0x15: {  	[spmem:s13], [sflag:s6] =	dma.local [hbm:s5], $0x2780  }
0x16: {  	_ =	swait.ge [sflag:s14], $0x2780  }
0x17: {  	[sflag:s14] =	ssyncset.done $0x0  }
0x18: {  	[sflag:s14] =	ssyncadd.s32 $0xFFFFD880  }
0x19: {  	s21 =	sadd.s32 $0x0, s12;
	[bflag:$0x0] =	sbarrier.arrive $0xFFFF  }
0x1a: {  	[tilespmem:s4], [sflag:$0x2] =	stream.linear.gather [hbm4b:s21+s4], $0x100, $0x38;
	[tilespmem:$0x1BE00] =	vst v63  }
0x1b: {  	_ =	swait.ge [sflag:s14], $0x100  }
0x1c: {  	[sflag:s14] =	ssyncset.done $0x0  }
0x1d: {  	s31 =	sadd.s32 $0x0, s11;
	[sflag:s14] =	ssyncadd.s32 $0xFFFFFF00  }
0x1e: {  	[tilespmem:s15], [sflag:$0x2] =	stream.linear.gather [hbm4b:s31+s4], $0x100, $0x38;
	[tilespmem:$0x1BE00] =	vst v63  }
0x1f: {  	_ =	swait.ge [sflag:s14], $0x100  }
0x20: {  	[sflag:s14] =	ssyncset.done $0x0  }
0x21: {  	[sflag:s14] =	ssyncadd.s32 $0xFFFFFF00  }
0x22: {  	[tilespmem:s16], [sflag:$0x1] =	stream.indirect.gather [hbm4b:s2+s15], $0x80, s4, s15, $0xb8;
	[tilespmem:$0x1BE00] =	vst v63  }
0x23: {  	_ =	swait.ge [sflag:s17], $0x8000  }
0x24: {  	[sflag:s17] =	ssyncset.done $0x0  }
0x25: {  	[sflag:s17] =	ssyncadd.s32 $0xFFFF8000  }
0x26: {  	[spmem:s3] =	stream.indirect.scatter.add.f32 [tilespmem:s16], [sflag:$0x2], $0x80, s15, s15, $0xb8;
	[tilespmem:$0x1BE00] =	vst v63  }
0x27: {  	_ =	swait.ge [sflag:s14], $0x8000  }
0x28: {  	s22 =	simm.s32 $0x40;
	s21 =	simm.s32 $0x20;
	[sflag:s14] =	ssyncset.done $0x0  }
.LBB2_2:
0x29: {  	s23 =	sadd.s32 s21, s12  }
0x2a: {  	[sflag:s14] =	ssyncadd.s32 $0xFFFF8000;
	s24 =	smov.u32 s22;
	s25 =	sadd.s32 $0x20, s22  }
0x2b: {  	[tilespmem:s4], [sflag:$0x2] =	stream.linear.gather [hbm4b:s23+s4], $0x100, $0x38;
	[tilespmem:$0x1BE00] =	vst v63  }
0x2c: {  	p0 =	sne.s32 s22, $0x4E0;
	_ =	swait.ge [sflag:s14], $0x100  }
0x2d: {  	[sflag:s14] =	ssyncset.done $0x0  }
0x2e: {  	s22 =	sadd.s32 s21, s11;
	s21 =	smov.u32 s24;
	[sflag:s14] =	ssyncadd.s32 $0xFFFFFF00  }
0x2f: {  	[tilespmem:s15], [sflag:$0x2] =	stream.linear.gather [hbm4b:s22+s4], $0x100, $0x38;
	[tilespmem:$0x1BE00] =	vst v63  }
0x30: {  	_ =	swait.ge [sflag:s14], $0x100  }
0x31: {  	[sflag:s14] =	ssyncset.done $0x0  }
0x32: {  	[sflag:s14] =	ssyncadd.s32 $0xFFFFFF00  }
0x33: {  	[tilespmem:s16], [sflag:$0x1] =	stream.indirect.gather [hbm4b:s2+s15], $0x80, s4, s15, $0xb8;
	[tilespmem:$0x1BE00] =	vst v63  }
0x34: {  	_ =	swait.ge [sflag:s17], $0x8000  }
.Ltmp0:
0x35: {  	[sflag:s17] =	ssyncset.done $0x0;
	(pc) =	sbr.rel @p0 .LBB2_2-.Ltmp0, $4  }
0x36: {  	[sflag:s17] =	ssyncadd.s32 $0xFFFF8000  }
0x37: {  	[spmem:s3] =	stream.indirect.scatter.add.f32 [tilespmem:s16], [sflag:$0x2], $0x80, s15, s15, $0xb8;
	[tilespmem:$0x1BE00] =	vst v63  }
0x38: {  	_ =	swait.ge [sflag:s14], $0x8000  }
0x39: {  	s22 =	smov.u32 s25;
	[sflag:s14] =	ssyncset.done $0x0  }
0x3a: {  	s22 =	sadd.s32 s21, s12;
	[sflag:s14] =	ssyncadd.s32 $0xFFFF8000  }
0x3b: {  	[tilespmem:s4], [sflag:$0x2] =	stream.linear.gather [hbm4b:s22+s4], $0x100, $0x38;
	[tilespmem:$0x1BE00] =	vst v63  }
0x3c: {  	_ =	swait.ge [sflag:s14], $0x100  }
0x3d: {  	[sflag:s14] =	ssyncset.done $0x0  }
0x3e: {  	s31 =	sadd.s32 s21, s11;
	[sflag:s14] =	ssyncadd.s32 $0xFFFFFF00  }
0x3f: {  	[tilespmem:s15], [sflag:$0x2] =	stream.linear.gather [hbm4b:s31+s4], $0x100, $0x38;
	[tilespmem:$0x1BE00] =	vst v63  }
0x40: {  	_ =	swait.ge [sflag:s14], $0x100  }
0x41: {  	[sflag:s14] =	ssyncset.done $0x0  }
0x42: {  	[sflag:s14] =	ssyncadd.s32 $0xFFFFFF00  }
0x43: {  	[tilespmem:s16], [sflag:$0x1] =	stream.indirect.gather [hbm4b:s2+s15], $0x80, s4, s15, $0xb8;
	[tilespmem:$0x1BE00] =	vst v63  }
0x44: {  	_ =	swait.ge [sflag:s17], $0x8000  }
0x45: {  	[sflag:s17] =	ssyncset.done $0x0  }
0x46: {  	[sflag:s17] =	ssyncadd.s32 $0xFFFF8000  }
0x47: {  	[spmem:s3] =	stream.indirect.scatter.add.f32 [tilespmem:s16], [sflag:$0x2], $0x80, s15, s15, $0xb8;
	[tilespmem:$0x1BE00] =	vst v63  }
0x48: {  	_ =	swait.ge [sflag:s14], $0x8000  }
0x49: {  	[sflag:s14] =	ssyncset.done $0x0  }
0x4a: {  	[sflag:s14] =	ssyncadd.s32 $0xFFFF8000  }
0x4b: {  	[bflag:$0x0] =	sbarrier.arrive $0xFFFF  }
0x4c: {  	[hbm:s7], [sflag:s6] =	dma.local [spmem:s13], $0x1000  }
0x4d: {  	_ =	swait.ge [sflag:s14], $0x1000  }
0x4e: {  	[sflag:s14] =	ssyncset.done $0x0  }
0x4f: {  	[sflag:s14] =	ssyncadd.s32 $0xFFFFF000  }
0x50: {  	[hbm:s8], [sflag:s6] =	dma.local [spmem:s18], $0x1000  }
0x51: {  	s20 =	sadd.s32 $0x1, s20;
	_ =	swait.ge [sflag:s14], $0x1000  }
0x52: {  	p0 =	sne.s32 s20, s10;
	[sflag:s14] =	ssyncset.done $0x0  }
.Ltmp1:
0x53: {  	[sflag:s14] =	ssyncadd.s32 $0xFFFFF000;
	(pc) =	sbr.rel @p0 .LBB2_1-.Ltmp1, $4  }
0x54: {  	[hbm:s9], [sflag:s6] =	dma.local [spmem:s19], $0x780  }
0x55: {  	_ =	swait.ge [sflag:s14], $0x780  }
0x56: {  	[sflag:s14] =	ssyncset.done $0x0  }
0x57: {  	[sflag:s14] =	ssyncadd.s32 $0xFFFFF880  }
0x58: {  	_ =	sfence.sel $0x180000  }
0x59: {  	[bflag:$0x0] =	sbarrier.arrive $0xFFFF  }
0x5a: {  	p0 =	sne.s32 s0, $0x0;
	_ =	strace $0x90000047  }
0x5b: {  	s0 =	sadd.s32 @!p0 $0x100000, s1;
	[bflag:$0x2] =	sbarrier.arrive $0xFFFF  }
0x5c: {  	[sflag:s0] =	ssyncadd.tile.s32 @!p0 $0x1;
	_ =	shalt  }
.Lfunc_end2:
_tile_overlayer_lowered:
.L_overlay_start_2:
0x5d: {  	(tag) =	ssettag $0x2  }
0x5e: {  	s0 =	rddreg [dreg:$0x0];
	s2 =	stileid.u32  }
0x5f: {  	s1 =	rddreg [dreg:$0x1];
	p0 =	sne.s32 s2, $0x0  }
0x60: {  	s3 =	rddreg [dreg:$0x2];
	[bflag:$0x3] =	sbarrier.arrive $0xFFFF;
	s2 =	simm.s32 @!p0 $0x1C02  }
0x61: {  	[timem:s3], [sflag:s2] =	dma.local @!p0 [hbm:s0], s1  }
0x62: {  	s0 =	simm.s32 @!p0 $0x2  }
0x63: {  	_ =	swait.ge @!p0 [sflag:s0], s1  }
0x64: {  	s1 =	ssub.s32 @!p0 $0x0, s1;
	[sflag:s0] =	ssyncset.done @!p0 $0x0  }
0x65: {  	[sflag:s0] =	ssyncadd.s32 @!p0 s1  }
0x66: {  	[bflag:$0x3] =	sbarrier.arrive $0xFFFF  }
0x67: {  	_ =	shalt  }

// kernel: kernel.8.cloned.1.call-start
scs
__scs_entry_jumppad:
0x0: {  	(pc) =	sbr.rel $0x88, $3  }
0x1: {  	(tag) =	ssettag $0x0;
	lr =	simm.s32 $0x1  }
0x2: {  	[smem:$0x3F96] =	sst lr;
	_ =	strace $0xD0000000  }
0x3: {  	_ = 	snop  }
0x4: {  	_ = 	snop  }
0x5: {  	_ = 	snop  }
0x6: {  	_ = 	snop  }
0x7: {  	_ = 	snop  }
__scs_overlays_trampoline_lowered:
0x8: {  	[smem:$0x3FA5] =	sst s0  }
0x9: {  	[smem:$0x3FA6] =	sst s1  }
0xa: {  	[smem:$0x3FA7] =	sst s2  }
0xb: {  	[smem:$0x3FA8] =	sst s3  }
0xc: {  	[smem:$0x3FA9] =	sst s4  }
0xd: {  	[smem:$0x3FAA] =	sst s5  }
0xe: {  	[smem:$0x3FAB] =	sst s6  }
0xf: {  	[smem:$0x3FAC] =	sst s7  }
0x10: {  	[smem:$0x3FAD] =	sst s8  }
0x11: {  	[smem:$0x3FAE] =	sst s9;
	s0 =	simm.s32 @!p0 $0x0  }
0x12: {  	s1 =	sld [smem:$0x3F94];
	s0 =	simm.s32 @p0 $0x1  }
0x13: {  	[smem:$0x3FAF] =	sst s0;
	s0 =	simm.s32 @!p1 $0x0  }
0x14: {  	s2 =	sld [smem:$0x3F93];
	s0 =	simm.s32 @p1 $0x1  }
0x15: {  	[smem:$0x3FB0] =	sst s0;
	s0 =	simm.s32 @!p2 $0x0  }
0x16: {  	s3 =	sld [smem:$0x3FDB];
	s0 =	simm.s32 @p2 $0x1  }
0x17: {  	s4 =	simm.s32 $0x1BF5;
	[smem:$0x3FB2] =	sst s0  }
0x18: {  	s0 =	sld [smem:$0x3F95];
	_ =	swait.ge [sflag:s4], $0x0  }
0x19: {  	s7 =	sld [smem:$0x3F96]  }
0x1a: {  	s8 =	sadd.s32 $0xFFFFE003, lr  }
0x1b: {  	s9 =	sadd.s32 $0xFFFFFEF7, lr;
	s5 =	simm.s32 $0xFFFFFFFF;
	p2 =	slt.u32 s8, $0xFFFFF086  }
0x1c: {  	p1 =	slt.u32 s9, $0xF7A;
	s5 =	simm.s32 @!p2 $0x0  }
0x1d: {  	s5 =	simm.s32 @p1 $0x1;
	p0 =	seq.s32 s7, s2  }
0x1e: {  	s7 =	smul.u32 @!p0 $0xF7A, s2;
	p2 =	seq.s32 @!p0 s5, $0x0  }
0x1f: {  	s9 =	smul.u32 $0xF7A, s1;
	s8 =	simm.s32 @!p0 $0x1BF5;
	p2 =	por !p2, p0  }
0x20: {  	[sflag:s8] =	ssyncset.s32 @!p0 $0xFFFFF086;
	s6 =	sadd.s32 @!p0 s3, s7;
	s7 =	simm.s32 @!p0 $0x108  }
0x21: {  	s3 =	sadd.s32 s3, s9;
	s6 =	sadd.s32 @!p0 $0x88, s6;
	s7 =	simm.s32 @p2 $0x1082  }
0x22: {  	[simem:s7], [sflag:s8] =	dma.local @!p0 [hbm:s6], $0xF7A  }
0x23: {  	s9 =	sor.u32 $0xD0000000, s2;
	s6 =	simm.s32 $0x108;
	_ =	swait.ge @!p0 [sflag:s8], $0x0  }
0x24: {  	s3 =	sadd.s32 $0x88, s3;
	s6 =	simm.s32 @!p1 $0x1082;
	[sflag:s4] =	ssyncset.s32 $0xFFFFF086  }
0x25: {  	[simem:s6], [sflag:s4] =	dma.local [hbm:s3], $0xF7A  }
0x26: {  	[smem:$0x3F96] =	sst s1;
	(tag) =	ssettag s2;
	_ =	strace s9  }
0x27: {  	s1 =	sld [smem:$0x3FA6]  }
0x28: {  	s2 =	sld [smem:$0x3FA7]  }
0x29: {  	s4 =	sld [smem:$0x3FA9]  }
0x2a: {  	p0 =	seq.s32 s5, $0x0;
	s5 =	sld [smem:$0x3FAA]  }
0x2b: {  	s6 =	sld [smem:$0x3FAB]  }
0x2c: {  	s7 =	sld [smem:$0x3FAC]  }
0x2d: {  	s3 =	simm.s32 $0x108;
	s8 =	sld [smem:$0x3FAD]  }
0x2e: {  	s3 =	simm.s32 @!p0 $0x1082;
	s9 =	sld [smem:$0x3FAE]  }
0x2f: {  	lr =	sadd.s32 s0, s3;
	s0 =	sld [smem:$0x3FA5]  }
0x30: {  	s3 =	sld [smem:$0x3FA8]  }
0x31: {  	[smem:$0x3FB1] =	sst s10  }
0x32: {  	s10 =	sld [smem:$0x3FAF];
	_ =	sdelay $0x3  }
0x33: {  	p0 =	seq.s32 s10, $0x1;
	s10 =	sld [smem:$0x3FB1];
	_ =	sdelay $0x3  }
0x34: {  	[smem:$0x3FB1] =	sst s10  }
0x35: {  	s10 =	sld [smem:$0x3FB0];
	_ =	sdelay $0x3  }
0x36: {  	p1 =	seq.s32 s10, $0x1;
	s10 =	sld [smem:$0x3FB1];
	_ =	sdelay $0x3  }
0x37: {  	[smem:$0x3FB1] =	sst s10  }
0x38: {  	s10 =	sld [smem:$0x3FB2]  }
0x39: {  	_ = 	snop;
	(pc) =	sbr.ind lr, $3  }
0x3a: {  	_ = 	snop  }
0x3b: {  	_ = 	snop  }
0x3c: {  	p2 =	seq.s32 s10, $0x1;
	s10 =	sld [smem:$0x3FB1]  }
0x3d: {  	_ =	shalt  }
0x3e: {  	_ =	shalt  }
0x3f: {  	_ =	shalt  }
0x40: {  	_ =	shalt  }
0x41: {  	_ =	shalt  }
0x42: {  	_ =	shalt  }
0x43: {  	_ =	shalt  }
0x44: {  	_ =	shalt  }
0x45: {  	_ =	shalt  }
0x46: {  	_ =	shalt  }
0x47: {  	_ =	shalt  }
0x48: {  	_ =	shalt  }
0x49: {  	_ =	shalt  }
0x4a: {  	_ =	shalt  }
0x4b: {  	_ =	shalt  }
0x4c: {  	_ =	shalt  }
0x4d: {  	_ =	shalt  }
0x4e: {  	_ =	shalt  }
0x4f: {  	_ =	shalt  }
0x50: {  	_ =	shalt  }
0x51: {  	_ =	shalt  }
0x52: {  	_ =	shalt  }
0x53: {  	_ =	shalt  }
0x54: {  	_ =	shalt  }
0x55: {  	_ =	shalt  }
0x56: {  	_ =	shalt  }
0x57: {  	_ =	shalt  }
0x58: {  	_ =	shalt  }
0x59: {  	_ =	shalt  }
0x5a: {  	_ =	shalt  }
0x5b: {  	_ =	shalt  }
0x5c: {  	_ =	shalt  }
0x5d: {  	_ =	shalt  }
0x5e: {  	_ =	shalt  }
0x5f: {  	_ =	shalt  }
0x60: {  	_ =	shalt  }
0x61: {  	_ =	shalt  }
0x62: {  	_ =	shalt  }
0x63: {  	_ =	shalt  }
0x64: {  	_ =	shalt  }
0x65: {  	_ =	shalt  }
0x66: {  	_ =	shalt  }
0x67: {  	_ =	shalt  }
0x68: {  	_ =	shalt  }
0x69: {  	_ =	shalt  }
0x6a: {  	_ =	shalt  }
0x6b: {  	_ =	shalt  }
0x6c: {  	_ =	shalt  }
0x6d: {  	_ =	shalt  }
0x6e: {  	_ =	shalt  }
0x6f: {  	_ =	shalt  }
0x70: {  	_ =	shalt  }
0x71: {  	_ =	shalt  }
0x72: {  	_ =	shalt  }
0x73: {  	_ =	shalt  }
0x74: {  	_ =	shalt  }
0x75: {  	_ =	shalt  }
0x76: {  	_ =	shalt  }
0x77: {  	_ =	shalt  }
0x78: {  	_ =	shalt  }
0x79: {  	_ =	shalt  }
0x7a: {  	_ =	shalt  }
0x7b: {  	_ =	shalt  }
0x7c: {  	_ =	shalt  }
0x7d: {  	_ =	shalt  }
0x7e: {  	_ =	shalt  }
0x7f: {  	_ =	shalt  }
0x80: {  	_ =	shalt  }
0x81: {  	_ =	shalt  }
0x82: {  	_ =	shalt  }
0x83: {  	_ =	shalt  }
0x84: {  	_ =	shalt  }
0x85: {  	_ =	shalt  }
0x86: {  	_ =	shalt  }
0x87: {  	_ =	shalt  }
.Lfunc_end0:
.L_simem_size_0:
called_computation.1_lowered:
.L_overlay_start_0:
0x88: {  	s2 =	sld [smem:$0x3FD9]  }
0x89: {  	s3 =	sld [smem:$0x3FFE];
	_ =	sdelay $0x1  }
0x8a: {  	s1 =	srdreg.scid  }
0x8b: {  	s0 =	sand.u32 $0x1, s1  }
0x8c: {  	s15 =	sshll.u32 s0, $0xA;
	s2 =	sadd.s32 s3, s2  }
0x8d: {  	s2 =	sadd.s32 s2, s15  }
0x8e: {  	[smem:$0x3FBD] =	sst s2  }
0x8f: {  	_ = 	snop  }
0x90: {  	s2 =	sld [smem:$0x3FD0];
	_ =	sdelay $0x2  }
0x91: {  	s16 =	simm.s32 $0xB;
	s4 =	simm.s32 $0x10  }
0x92: {  	[smem:s4], [sflag:s16] =	dma.local [hbm:s2], $0x1  }
0x93: {  	_ =	swait.eq [sflag:s16], $0x1  }
0x94: {  	[sflag:s16] =	ssyncset.done $0x0  }
0x95: {  	[sflag:s16] =	ssyncadd.s32 $0xFFFFFFFF  }
0x96: {  	s17 =	sld [smem:$0x11];
	(tm) =	ssettm $0x1  }
0x97: {  	s18 =	sld [smem:$0x3FFB];
	_ =	sdelay $0x3  }
0x98: {  	_ =	strace s18  }
0x99: {  	s2 =	sld [smem:$0x3FFC];
	_ =	sdelay $0x3  }
0x9a: {  	_ =	strace s2  }
0x9b: {  	s2 =	sld [smem:$0x3FFD];
	_ =	sdelay $0x3  }
0x9c: {  	_ =	strace s2  }
0x9d: {  	_ =	strace $0x8FFFFFFF  }
0x9e: {  	s19 =	sld [smem:$0x3FDB];
	_ =	sdelay $0x1  }
0x9f: {  	s20 =	simm.s32 $_scs_section_size  }
0xa0: {  	s5 =	simm.s32 $_size__tile_overlayer_lowered;
	s6 =	simm.s32 $_tile_overlayer_lowered  }
0xa1: {  	s7 =	simm.s32 $0x1BFF;
	s21 =	sshll.u32 s6, $0x1;
	s4 =	sadd.s32 s20, s19  }
0xa2: {  	s22 =	simm.s32 $0x0;
	s5 =	sshll.u32 s5, $0x1;
	s6 =	sadd.s32 s21, s4  }
0xa3: {  	[timem:s22], [sflag:s7] =	dma.local [hbm:s6], s5  }
0xa4: {  	_ =	swait.ge [sflag:s7], s5  }
0xa5: {  	s5 =	ssub.s32 $0x0, s5;
	[sflag:s7] =	ssyncset.done $0x0  }
0xa6: {  	[sflag:s7] =	ssyncadd.s32 s5;
	_ =	sdelay $0x1  }
0xa7: {  	s23 =	simm.s32 $0x1B8B  }
0xa8: {  	_ =	swait.ge [sflag:s23], $0x1  }
0xa9: {  	[sflag:s23] =	ssyncset.done $0x0  }
0xaa: {  	[sflag:s23] =	ssyncadd.s32 $0xFFFFFFFF  }
0xab: {  	s5 =	sld [smem:$0x0]  }
0xac: {  	s6 =	sand.u32 $0xFFFFFFFE, s1  }
0xad: {  	p0 =	sne.s32 s1, s6  }
0xae: {  	s6 =	sshll.u32 @p0 s6, $0xE  }
0xaf: {  	s6 =	sadd.s32 @p0 $0x11B8D, s6;
	s7 =	sshll.u32 @p0 s5, $0x11  }
0xb0: {  	s6 =	sor.u32 @p0 s7, s6  }
0xb1: {  	[sflag:s6] =	ssyncadd.remote.s32 @p0 $0x1;
	_ =	sdelay $0x1  }
0xb2: {  	s6 =	simm.s32 @p0 $0x1B8D  }
0xb3: {  	_ =	swait.eq @p0 [sflag:s6], $0x1  }
0xb4: {  	[sflag:s6] =	ssyncadd.s32 @p0 $0xFFFFFFFF  }
0xb5: {  	s7 =	sshll.u32 @!p0 s1, $0xE  }
0xb6: {  	s7 =	sor.u32 @!p0 $0x4000, s7;
	s6 =	simm.s32 @!p0 $0x1B8D  }
0xb7: {  	s5 =	sshll.u32 @!p0 s5, $0x11;
	s7 =	sadd.s32 @!p0 $0x11B8D, s7;
	_ =	swait.eq @!p0 [sflag:s6], $0x1  }
0xb8: {  	s5 =	sor.u32 @!p0 s5, s7;
	[sflag:s6] =	ssyncadd.s32 @!p0 $0xFFFFFFFF  }
0xb9: {  	s25 =	simm.s32 $0x1B8E;
	s24 =	sld [smem:$0x3FFE];
	[sflag:s5] =	ssyncadd.remote.s32 @!p0 $0x1  }
0xba: {  	s26 =	simm.s32 $execute0_lowered;
	[smem:$0x3FD2] =	sst s25  }
0xbb: {  	s6 =	sshll.u32 s26, $0x1;
	_ =	strace $0x80000049;
	[dreg:$0x1] =	wrdreg $0xFFFFFFFF  }
0xbc: {  	s28 =	simm.s32 $_size_execute0_lowered;
	s4 =	sadd.s32 s4, s6;
	[dreg:$0x0] =	wrdreg $0x0  }
0xbd: {  	s6 =	sshll.u32 s28, $0x1;
	[dreg:$0x2] =	wrdreg s4  }
0xbe: {  	[dreg:$0x3] =	wrdreg s6  }
0xbf: {  	[dreg:$0x4] =	wrdreg $0xC0  }
0xc0: {  	_ =	task [dreg:s22], $0x5FFFF  }
0xc1: {  	[dreg:$0x1] =	wrdreg $0xFFFFFFFF  }
0xc2: {  	[dreg:$0x0] =	wrdreg $0x60  }
0xc3: {  	[dreg:$0x2] =	wrdreg s24  }
0xc4: {  	[dreg:$0x3] =	wrdreg s17  }
0xc5: {  	[dreg:$0x4] =	wrdreg $0xC1000  }
0xc6: {  	[dreg:$0x5] =	wrdreg $0xA  }
0xc7: {  	_ =	task.clear_ibuf [dreg:s22], $0x6FFFF;
	_ =	strace $0x90000049  }
0xc8: {  	s29 =	simm.s32 $0xA;
	_ =	strace $0x8000004B  }
0xc9: {  	_ =	swait.ge [sflag:s29], $0x1  }
0xca: {  	[sflag:s29] =	ssyncadd.s32 $0xFFFFFFFF  }
0xcb: {  	_ =	strace $0x9000004B  }
0xcc: {  	_ =	sfence  }
0xcd: {  	s30 =	sld [smem:$0x0];
	_ =	sdelay $0x2  }
0xce: {  	s31 =	sshll.u32 s1, $0xD;
	s1 =	sshrl.u32 s1, $0x2  }
0xcf: {  	s4 =	sand.u32 $0x4000, s31;
	s1 =	sadd.s32 s1, s30  }
0xd0: {  	s0 =	sor.u32 s4, s0;
	s1 =	sshll.u32 s1, $0x11  }
0xd1: {  	s0 =	sor.u32 s1, s0  }
0xd2: {  	s0 =	sadd.s32 $0x8F2B, s0  }
0xd3: {  	[sflag:s0] =	ssyncadd.remote.s32 $0x1  }
0xd4: {  	_ =	sfence.sel $0xFFFF  }
0xd5: {  	[dreg:$0x0] =	wrdreg $0xFFFFFFFF;
	(pc) =	sbr.abs _section_cstart, $3  }
0xd6: {  	[dreg:$0x1] =	wrdreg $0xFFFFFFFF  }
0xd7: {  	_ =	task.clear_ibuf [dreg:s22], $0x2FFFF;
	_ =	strace $0x9FFFFFFF  }
0xd8: {  	(tm) =	ssettm $0x7FFFFFFF  }
0xd9: {  	_ =	shalt  }
tec
execute0_lowered:
.L_overlay_start_1:
0x0: {  	(tag) =	ssettag $0x1  }
0x1: {  	s0 =	rddreg [dreg:$0x0]  }
0x2: {  	s3 =	rddreg [dreg:$0x1]  }
0x3: {  	s1 =	rddreg [dreg:$0x2];
	s2 =	simm.s32 $0x0  }
0x4: {  	s6 =	srdreg.scid;
	s12 =	stileid.u32;
	s28 =	simm.s32 $0x80  }
0x5: {  	s29 =	simm.s32 $0x0;
	s31 =	simm.s32 $0x0;
	[smem:$0x7FF] =	sst s2  }
0x6: {  	s4 =	sadd.s32 $0x2600, s0;
	s5 =	sadd.s32 $0x53FE00, s0;
	s6 =	sand.u32 $0x1, s6  }
0x7: {  	s7 =	sadd.s32 $0xC600, s0;
	s10 =	smul.u32 $0x4F000, s12;
	s17 =	sshll.u32 s12, $0x6  }
0x8: {  	_ =	strace $0x8000004A;
	[dreg:$0x4] =	wrdreg s7;
	s14 =	sshll.u32 s6, $0x4  }
0x9: {  	s9 =	ssub.s32 $0x2, s6;
	s6 =	smul.u32 $0x13C000, s6;
	s11 =	sor.u32 s12, s14  }
0xa: {  	s7 =	sadd.s32 $0x5DE00, s0;
	s15 =	sshrl.u32 s9, $0x1;
	s8 =	smul.u32 $0x2800, s11  }
0xb: {  	s16 =	sshrl.u32 s10, $0x2;
	s0 =	ssub.s32 s9, s15;
	s15 =	smul.u32 $0x13C00, s12  }
0xc: {  	s10 =	sor.u32 $0x1C01, s17;
	s9 =	sadd.s32 s16, s1;
	s19 =	smul.u32 $0x28000, s11  }
0xd: {  	[dreg:$0x5] =	wrdreg s9;
	s18 =	sshrl.u32 s8, $0x3;
	s20 =	sadd.s32 s15, s6  }
0xe: {  	s16 =	sadd.s32 $0x4000, s15;
	s12 =	sadd.s32 s5, s19;
	s17 =	sadd.s32 $0x8000, s15  }
0xf: {  	s19 =	sadd.s32 $0x10000, s15;
	s11 =	sadd.s32 s4, s18;
	s9 =	sshrl.u32 s20, $0x3  }
0x10: {  	s14 =	sadd.s32 s6, s16;
	s22 =	sadd.s32 s16, s1;
	s25 =	sadd.s32 s6, s17  }
0x11: {  	s18 =	sadd.s32 $0xC000, s15;
	s23 =	sadd.s32 s17, s1;
	s30 =	sadd.s32 s19, s1  }
0x12: {  	s20 =	simm.s32 $0x4100;
	s13 =	sadd.s32 s3, s9;
	s21 =	sshrl.u32 s14, $0x3  }
0x13: {  	s16 =	sshrl.u32 s25, $0x3;
	s26 =	sadd.s32 s6, s18;
	s6 =	sadd.s32 s6, s19  }
0x14: {  	s24 =	sadd.s32 s18, s1;
	s18 =	smax.u32 s0, $0x1;
	s19 =	simm.s32 $0x1  }
0x15: {  	s22 =	sshrl.u32 s22, $0x3;
	s23 =	sshrl.u32 s23, $0x3;
	s25 =	sshrl.u32 s30, $0x3  }
0x16: {  	s14 =	sadd.s32 s3, s21;
	s15 =	sadd.s32 s3, s16;
	s16 =	sshrl.u32 s26, $0x3  }
0x17: {  	s6 =	sshrl.u32 s6, $0x3;
	s21 =	simm.s32 $0x8100;
	s24 =	sshrl.u32 s24, $0x3  }
0x18: {  	s26 =	simm.s32 $0x100;
	s16 =	sadd.s32 s3, s16;
	s17 =	sadd.s32 s3, s6  }
.LBB2_1:
0x19: {  	s0 =	rddreg [dreg:$0x5]  }
0x1a: {  	s9 =	rddreg [dreg:$0x4];
	s30 =	sshrl.u32 s0, $0x3  }
0x1b: {  	[spmem:s30], [sflag:s10] =	dma.local [hbm:s9], $0x2780  }
0x1c: {  	_ =	swait.ge [sflag:s19], $0x2780  }
0x1d: {  	[sflag:s19] =	ssyncset.done $0x0  }
0x1e: {  	[sflag:s19] =	ssyncadd.s32 $0xFFFFD880  }
0x1f: {  	[tilespmem:s20], [sflag:$0x1] =	stream.linear.gather [hbm4b:s7+s2], $0x4000, $0x38;
	[tilespmem:$0x1FD00] =	vst v63  }
0x20: {  	_ =	swait.ge [sflag:s19], $0x4000  }
0x21: {  	[sflag:s19] =	ssyncset.done $0x0  }
0x22: {  	[sflag:s19] =	ssyncadd.s32 $0xFFFFC000  }
0x23: {  	[tilespmem:s21], [sflag:$0x1] =	stream.linear.gather [hbm4b:s7+s2], $0x4000, $0x38;
	[tilespmem:$0x1FD00] =	vst v63  }
0x24: {  	_ =	swait.ge [sflag:s19], $0x4000  }
0x25: {  	[sflag:s19] =	ssyncset.done $0x0  }
0x26: {  	[sflag:s19] =	ssyncadd.s32 $0xFFFFC000  }
0x27: {  	[bflag:$0x0] =	sbarrier.arrive $0xFFFF  }
0x28: {  	[tilespmem:s2], [sflag:$0x1] =	stream.linear.gather [hbm4b:s11+s2], $0x80, $0x38;
	[tilespmem:$0x1FD00] =	vst v63  }
0x29: {  	_ =	swait.ge [sflag:s19], $0x80  }
0x2a: {  	[sflag:s19] =	ssyncset.done $0x0  }
0x2b: {  	[sflag:s19] =	ssyncadd.s32 $0xFFFFFF80  }
0x2c: {  	[tilespmem:s26], [sflag:$0x1] =	stream.linear.gather [hbm4b:s12+s2], $0x4000, $0x38;
	[tilespmem:$0x1FD00] =	vst v63  }
0x2d: {  	_ =	swait.ge [sflag:s19], $0x4000  }
0x2e: {  	[sflag:s19] =	ssyncset.done $0x0  }
0x2f: {  	s0 =	simm.s32 $0x0;
	[sflag:s19] =	ssyncadd.s32 $0xFFFFC000  }
0x30: {  	v0 =	vld [tilespmem:s0+$0x100];
	_ =	sdelay $0x3  }
0x31: {  	s3 =	simm.s32 $0x200  }
.LBB2_2:
0x32: {  	p0 =	sne.s32 s3, $0xFE00;
	[tilespmem:s0+$0x4100] =	vst v0;
	s0 =	sshra.s32 s3, $0x2;
	s3 =	sadd.s32 $0x200, s3  }
.Ltmp0:
0x33: {  	v0 =	vld [tilespmem:s0+$0x100];
	(pc) =	sbr.rel @p0 .LBB2_2-.Ltmp0, $1  }
0x34: {  	_ =	sdelay $0x3  }
0x35: {  	[tilespmem:s0+$0x4100] =	vst v0;
	s0 =	simm.s32 $0x0  }
.LBB2_4:
0x36: {  	s3 =	sshll.u32 s0, $0x8  }
0x37: {  	s6 =	sadd.s32 s3, s8  }
0x38: {  	s6 =	sadd.s32 $0x80, s6  }
0x39: {  	s9 =	sshrl.u32 s6, $0x3  }
0x3a: {  	s9 =	sadd.s32 s4, s9  }
0x3b: {  	[tilespmem:s28], [sflag:$0x1] =	stream.linear.gather [hbm4b:s9+s31], $0x80, $0x38;
	[tilespmem:$0x1FD00] =	vst v63  }
0x3c: {  	_ =	swait.ge [sflag:s19], $0x80  }
0x3d: {  	s6 =	sshll.u32 s6, $0x4;
	[sflag:s19] =	ssyncset.done $0x0  }
0x3e: {  	s6 =	sadd.s32 s5, s6;
	[sflag:s19] =	ssyncadd.s32 $0xFFFFFF80  }
0x3f: {  	[tilespmem:s26], [sflag:$0x1] =	stream.linear.gather [hbm4b:s6+s31], $0x4000, $0x38;
	[tilespmem:$0x1FD00] =	vst v63  }
0x40: {  	_ =	swait.ge [sflag:s19], $0x4000  }
0x41: {  	[sflag:s19] =	ssyncset.done $0x0  }
0x42: {  	s6 =	simm.s32 $0x0;
	[sflag:s19] =	ssyncadd.s32 $0xFFFFC000  }
0x43: {  	s9 =	simm.s32 $0x200;
	v0 =	vld [tilespmem:s6+$0x100]  }
.LBB2_5:
0x44: {  	p0 =	sne.s32 s9, $0xFE00  }
.Ltmp1:
0x45: {  	_ = 	snop;
	(pc) =	sbr.rel @p0 .LBB2_5-.Ltmp1, $3  }
0x46: {  	_ =	sdelay $0x1  }
0x47: {  	[tilespmem:s6+$0x8100] =	vst v0;
	s6 =	sshra.s32 s9, $0x2;
	s9 =	sadd.s32 $0x200, s9  }
0x48: {  	v0 =	vld [tilespmem:s6+$0x100]  }
0x49: {  	_ =	sdelay $0x2  }
0x4a: {  	s3 =	sadd.s32 $0x100, s3;
	p0 =	seq.s32 s0, $0x27  }
0x4b: {  	s3 =	simm.s32 @p0 $0x0;
	[tilespmem:s6+$0x8100] =	vst v0;
	s6 =	simm.s32 $0x0  }
0x4c: {  	[spmem:s1] =	stream.indirect.scatter.add.f32 [tilespmem:s20], [sflag:$0x1], $0x80, s6, s28, $0xb8;
	[tilespmem:$0x1FD00] =	vst v63  }
0x4d: {  	s3 =	sadd.s32 s8, s3;
	_ =	swait.ge [sflag:s19], $0x4000  }
0x4e: {  	s9 =	sshrl.u32 s3, $0x3;
	[sflag:s19] =	ssyncset.done $0x0  }
0x4f: {  	s9 =	sadd.s32 s4, s9;
	[sflag:s19] =	ssyncadd.s32 $0xFFFFC000  }
0x50: {  	[tilespmem:s6], [sflag:$0x1] =	stream.linear.gather [hbm4b:s9+s6], $0x80, $0x38;
	[tilespmem:$0x1FD00] =	vst v63  }
0x51: {  	_ =	swait.ge [sflag:s19], $0x80  }
0x52: {  	s3 =	sshll.u32 s3, $0x4;
	[sflag:s19] =	ssyncset.done $0x0  }
0x53: {  	s3 =	sadd.s32 s5, s3;
	[sflag:s19] =	ssyncadd.s32 $0xFFFFFF80  }
0x54: {  	[tilespmem:s26], [sflag:$0x1] =	stream.linear.gather [hbm4b:s3+s6], $0x4000, $0x38;
	[tilespmem:$0x1FD00] =	vst v63  }
0x55: {  	_ =	swait.ge [sflag:s19], $0x4000  }
0x56: {  	[sflag:s19] =	ssyncset.done $0x0  }
0x57: {  	s3 =	simm.s32 $0x0;
	[sflag:s19] =	ssyncadd.s32 $0xFFFFC000  }
0x58: {  	s6 =	simm.s32 $0x200;
	v0 =	vld [tilespmem:s3+$0x100]  }
.LBB2_7:
0x59: {  	p0 =	sne.s32 s6, $0xFE00  }
.Ltmp2:
0x5a: {  	_ = 	snop;
	(pc) =	sbr.rel @p0 .LBB2_7-.Ltmp2, $3  }
0x5b: {  	_ =	sdelay $0x1  }
0x5c: {  	[tilespmem:s3+$0x4100] =	vst v0;
	s3 =	sshra.s32 s6, $0x2;
	s6 =	sadd.s32 $0x200, s6  }
0x5d: {  	v0 =	vld [tilespmem:s3+$0x100]  }
0x5e: {  	_ =	sdelay $0x1  }
0x5f: {  	s0 =	sadd.s32 $0x1, s0  }
0x60: {  	p0 =	sne.s32 s0, $0x28  }
.Ltmp3:
0x61: {  	[tilespmem:s3+$0x4100] =	vst v0;
	(pc) =	sbr.rel @p0 .LBB2_4-.Ltmp3, $4  }
0x62: {  	[spmem:s1] =	stream.indirect.scatter.add.f32 [tilespmem:s21], [sflag:$0x1], $0x80, s28, s28, $0xb8;
	[tilespmem:$0x1FD00] =	vst v63  }
0x63: {  	_ =	swait.ge [sflag:s19], $0x4000  }
0x64: {  	[sflag:s19] =	ssyncset.done $0x0  }
0x65: {  	[sflag:s19] =	ssyncadd.s32 $0xFFFFC000  }
0x66: {  	[bflag:$0x0] =	sbarrier.arrive $0xFFFF  }
0x67: {  	[hbm:s13], [sflag:s10] =	dma.local [spmem:s30], $0x800  }
0x68: {  	_ =	swait.ge [sflag:s19], $0x800  }
0x69: {  	[sflag:s19] =	ssyncset.done $0x0  }
0x6a: {  	[sflag:s19] =	ssyncadd.s32 $0xFFFFF800  }
0x6b: {  	[hbm:s14], [sflag:s10] =	dma.local [spmem:s22], $0x800  }
0x6c: {  	_ =	swait.ge [sflag:s19], $0x800  }
0x6d: {  	[sflag:s19] =	ssyncset.done $0x0  }
0x6e: {  	[sflag:s19] =	ssyncadd.s32 $0xFFFFF800  }
0x6f: {  	[hbm:s15], [sflag:s10] =	dma.local [spmem:s23], $0x800  }
0x70: {  	_ =	swait.ge [sflag:s19], $0x800  }
0x71: {  	[sflag:s19] =	ssyncset.done $0x0  }
0x72: {  	[sflag:s19] =	ssyncadd.s32 $0xFFFFF800  }
0x73: {  	[hbm:s16], [sflag:s10] =	dma.local [spmem:s24], $0x800  }
0x74: {  	s29 =	sadd.s32 $0x1, s29;
	_ =	swait.ge [sflag:s19], $0x800  }
0x75: {  	p0 =	sne.s32 s29, s18;
	[sflag:s19] =	ssyncset.done $0x0  }
.Ltmp4:
0x76: {  	[sflag:s19] =	ssyncadd.s32 $0xFFFFF800;
	(pc) =	sbr.rel @p0 .LBB2_1-.Ltmp4, $4  }
0x77: {  	[hbm:s17], [sflag:s10] =	dma.local [spmem:s25], $0x780  }
0x78: {  	_ =	swait.ge [sflag:s19], $0x780  }
0x79: {  	[sflag:s19] =	ssyncset.done $0x0  }
0x7a: {  	[sflag:s19] =	ssyncadd.s32 $0xFFFFF880  }
0x7b: {  	_ =	sfence.sel $0x180000  }
0x7c: {  	[bflag:$0x0] =	sbarrier.arrive $0xFFFF  }
0x7d: {  	_ =	strace $0x9000004A  }
0x7e: {  	s0 =	stileid.u32;
	[bflag:$0x2] =	sbarrier.arrive $0xFFFF  }
0x7f: {  	p0 =	sne.s32 s0, $0x0;
	s0 =	rddreg [dreg:$0x3]  }
0x80: {  	s0 =	sadd.s32 @!p0 $0x100000, s0  }
0x81: {  	[sflag:s0] =	ssyncadd.tile.s32 @!p0 $0x1;
	_ =	shalt  }
.Lfunc_end2:
_tile_overlayer_lowered:
.L_overlay_start_2:
0x82: {  	(tag) =	ssettag $0x2  }
0x83: {  	s0 =	rddreg [dreg:$0x0];
	s2 =	stileid.u32  }
0x84: {  	s1 =	rddreg [dreg:$0x1];
	p0 =	sne.s32 s2, $0x0  }
0x85: {  	s3 =	rddreg [dreg:$0x2];
	[bflag:$0x3] =	sbarrier.arrive $0xFFFF;
	s2 =	simm.s32 @!p0 $0x1C01  }
0x86: {  	[timem:s3], [sflag:s2] =	dma.local @!p0 [hbm:s0], s1  }
0x87: {  	s0 =	simm.s32 @!p0 $0x1  }
0x88: {  	_ =	swait.ge @!p0 [sflag:s0], s1  }
0x89: {  	s1 =	ssub.s32 @!p0 $0x0, s1;
	[sflag:s0] =	ssyncset.done @!p0 $0x0  }
0x8a: {  	[sflag:s0] =	ssyncadd.s32 @!p0 s1  }
0x8b: {  	[bflag:$0x3] =	sbarrier.arrive $0xFFFF  }
0x8c: {  	_ =	shalt  }

</sc_bundles>
